<compile_context>
chip_gen: v7x
topology: tpu7x:2x2x1
jax: 0.10.2.dev20260603
libtpu: 0.0.44.dev20260713+nightly
codegen_flags: <defaults>
</compile_context>

<pallas_src>
import functools

import jax
import jax.numpy as jnp
from jax import lax
from jax.experimental import pallas as pl
from jax.experimental.pallas import tpu as pltpu
from jax.experimental.pallas import tpu_sc as plsc

SEQ = 200
BATCH = 4096
DIM = 64
OUT_DIM = 128
VOCAB = 1000000

NC = 2
NS = 16
NW = NC * NS
BPW = BATCH // NW
NBUF = 4
LANES = 16
HC = DIM // LANES

def _pool_body(x_hbm, tab2_hbm, out_hbm, idx_v, acc_v,
               b0, b1, b2, b3, s0, s1, s2, s3):
    bufs = (b0, b1, b2, b3)
    sems = (s0, s1, s2, s3)
    wid = lax.axis_index("s") * NC + lax.axis_index("c")
    base = pl.multiple_of(wid * BPW, BPW)

    pltpu.sync_copy(x_hbm.at[:, pl.ds(base, BPW)], idx_v)

    neg = jnp.full((LANES,), -jnp.inf, dtype=jnp.float32)

    def init_row(i, carry):
        for c in range(HC):
            acc_v[i, pl.ds(c * LANES, LANES)] = neg
        return carry

    lax.fori_loop(0, BPW, init_row, 0)

    for k in range(NBUF):
        pltpu.make_async_copy(
            tab2_hbm.at[idx_v.at[k]], bufs[k], sems[k]).start()

    def group(g, carry):
        for k in range(NBUF):
            s_cur = g * NBUF + k
            pltpu.make_async_copy(
                tab2_hbm.at[idx_v.at[s_cur]], bufs[k], sems[k]).wait()

            def row(i, c2, _buf=bufs[k]):
                for c in range(HC):
                    sl = pl.ds(c * LANES, LANES)
                    acc_v[i, sl] = jnp.maximum(acc_v[i, sl], _buf[i, sl])
                return c2

            lax.fori_loop(0, BPW, row, 0)

            s_next = s_cur + NBUF

            @pl.when(s_next < SEQ)
            def _fire(_buf=bufs[k], _sem=sems[k], _s=s_next):
                pltpu.make_async_copy(
                    tab2_hbm.at[idx_v.at[_s]], _buf, _sem).start()

        return carry

    lax.fori_loop(0, SEQ // NBUF, group, 0)

    pltpu.sync_copy(acc_v, out_hbm.at[pl.ds(base, BPW), :])


def _linear_body(p_ref, w_ref, b_ref, o_ref):
    o_ref[...] = lax.dot_general(
        p_ref[...][:, :DIM], w_ref[...], (((1,), (1,)), ((), ())),
        preferred_element_type=jnp.float32) + b_ref[...]


TBLK = 16384


def _trans_body(t_ref, o_ref):
    x = t_ref[...]
    o_ref[...] = jnp.transpose(jnp.concatenate([x, x], axis=0), (1, 0))


def _widen_tc(tabT):
    grid = (VOCAB + TBLK - 1) // TBLK
    return pl.pallas_call(
        _trans_body,
        out_shape=jax.ShapeDtypeStruct((VOCAB, 2 * DIM), jnp.float32),
        grid=(grid,),
        in_specs=[pl.BlockSpec((DIM, TBLK), lambda i: (0, i))],
        out_specs=pl.BlockSpec((TBLK, 2 * DIM), lambda i: (i, 0)),
    )(tabT)


@jax.jit
def _run(x, table, W, b):
    mesh = plsc.VectorSubcoreMesh(core_axis_name="c", subcore_axis_name="s")
    params = pltpu.CompilerParams(use_tc_tiling_on_sc=True)
    pool = pl.kernel(
        _pool_body,
        out_type=jax.ShapeDtypeStruct((BATCH, 2 * DIM), jnp.float32),
        mesh=mesh,
        scratch_types=[
            pltpu.VMEM((SEQ, BPW), jnp.int32),
            pltpu.VMEM((BPW, 2 * DIM), jnp.float32),
        ] + [pltpu.VMEM((BPW, 2 * DIM), jnp.float32)] * NBUF
          + [pltpu.SemaphoreType.DMA] * NBUF,
        compiler_params=params,
    )
    tab2 = _widen_tc(table.T)
    pooled = pool(x, tab2)
    blk = 512
    return pl.pallas_call(
        _linear_body,
        out_shape=jax.ShapeDtypeStruct((BATCH, OUT_DIM), jnp.float32),
        grid=(BATCH // blk,),
        in_specs=[
            pl.BlockSpec((blk, 2 * DIM), lambda i: (i, 0)),
            pl.BlockSpec((OUT_DIM, DIM), lambda i: (0, 0)),
            pl.BlockSpec((1, OUT_DIM), lambda i: (0, 0)),
        ],
        out_specs=pl.BlockSpec((blk, OUT_DIM), lambda i: (i, 0)),
    )(pooled, W, b.reshape(1, OUT_DIM))


def kernel(x, table, W, b):
    return _run(x.astype(jnp.int32), table, W, b)

# --- scband reference (transcript-rebuilt; emitter-appended) ---
"""Pipeline reference for scband-fast-text-25082609009306 (READ-ONLY COPY).

The authoritative reference and input builder live on the scoring server;
editing this copy changes nothing except your own understanding.
"""

import jax, jax.numpy as jnp
import numpy as np

VOCAB = 1000000
EMBED_DIM = 64
OUTPUT_DIM = 128
SEQ_LEN = 200
BATCH = 4096


def setup_inputs(seed: int = 0) -> dict:
    key = jax.random.key(seed)
    k1, k2, k3, k4 = jax.random.split(key, 4)
    x = jax.random.randint(k1, (SEQ_LEN, BATCH), 0, VOCAB, dtype=jnp.int64 if jax.config.jax_enable_x64 else jnp.int32)
    table = jax.random.normal(k2, (VOCAB, EMBED_DIM), dtype=jnp.float32) * 0.02
    W = jax.random.normal(k3, (OUTPUT_DIM, EMBED_DIM), dtype=jnp.float32) * (1.0 / np.sqrt(EMBED_DIM))
    b = jax.random.normal(k4, (OUTPUT_DIM,), dtype=jnp.float32) * 0.01
    return {"x": x, "table": table, "W": W, "b": b}


def reference(x, table, W, b):
    # embedding lookup: [S, B] -> [S, B, D]
    embedded = jnp.take(table, x, axis=0)
    # permute(1, 0, 2): [B, S, D]
    embedded = jnp.transpose(embedded, (1, 0, 2))
    # max_pool2d with kernel (S, 1) over dims (1, 2) then squeeze -> max over seq dim
    pooled = jnp.max(embedded, axis=1)  # [B, D]
    # linear: pooled @ W.T + b -> [B, OUTPUT_DIM]
    out = pooled @ W.T + b
    return out

if __name__ == "__main__":
    import jax
    _d = setup_inputs()
    print(jax.jit(kernel)(*tuple(_d.values())))

</pallas_src>

<mosaic_0001>
#map = affine_map<(d0, d1) -> (0, 0)>
module attributes {stable_mosaic.version = 14 : i64} {
  func.func @_pool_body(%arg0: i32, %arg1: i32, %arg2: memref<200x4096xi32, #tpu.memory_space<hbm>>, %arg3: memref<1000000x128xf32, #tpu.memory_space<hbm>>, %arg4: memref<4096x128xf32, #tpu.memory_space<hbm>>, %arg5: memref<200x128xi32, #tpu.memory_space<vmem>>, %arg6: memref<128x128xf32, #tpu.memory_space<vmem>>, %arg7: memref<128x128xf32, #tpu.memory_space<vmem>>, %arg8: memref<128x128xf32, #tpu.memory_space<vmem>>, %arg9: memref<128x128xf32, #tpu.memory_space<vmem>>, %arg10: memref<128x128xf32, #tpu.memory_space<vmem>>, %arg11: memref<!tpu.dma_semaphore, #tpu.memory_space<semaphore_mem>>, %arg12: memref<!tpu.dma_semaphore, #tpu.memory_space<semaphore_mem>>, %arg13: memref<!tpu.dma_semaphore, #tpu.memory_space<semaphore_mem>>, %arg14: memref<!tpu.dma_semaphore, #tpu.memory_space<semaphore_mem>>) attributes {dimension_semantics = [#tpu.dimension_semantics<core_parallel>, #tpu.dimension_semantics<subcore_parallel>], iteration_bounds = array<i64: 2, 16>, scalar_prefetch = 0 : i64, scratch_operands = 10 : i64, tpu.core_type = #tpu.core_type<sc_vector_subcore>, window_params = [{transform_indices = #map}, {transform_indices = #map}, {transform_indices = #map}]} {
    %mul3A = arith.constant 2 : i32
    %mul3A_0 = arith.muli %arg1, %mul3A : i32
    %add3A = arith.addi %mul3A_0, %arg0 : i32
    %mul3A_1 = arith.constant 128 : i32
    %mul3A_2 = arith.muli %add3A, %mul3A_1 : i32
    %multiple_of3A = tpu.assume_multiple %mul3A_2, 128 : i32
    "tpu.region"() ({
      %run_scoped3A = tpu.sem_alloc : memref<!tpu.dma_semaphore, #tpu.memory_space<semaphore_mem>>
      %dma_start3A_42 = arith.constant 0 : i32
      %dma_start3A_43 = tpu.memref_slice %arg2[%dma_start3A_42, %multiple_of3A] : memref<200x4096xi32, #tpu.memory_space<hbm>> -> memref<200x128xi32, #tpu.memory_space<hbm>>
      %dma_start3A_44 = arith.constant 0 : i32
      %dma_start3A_45 = tpu.memref_slice %arg2[%dma_start3A_44, %multiple_of3A] : memref<200x4096xi32, #tpu.memory_space<hbm>> -> memref<200x128xi32, #tpu.memory_space<hbm>>
      tpu.enqueue_dma source(%dma_start3A_45 : memref<200x128xi32, #tpu.memory_space<hbm>>) target(%arg5 : memref<200x128xi32, #tpu.memory_space<vmem>>) target_semaphore(%run_scoped3A : memref<!tpu.dma_semaphore, #tpu.memory_space<semaphore_mem>>)
      %dma_wait3A = arith.constant 0 : i32
      %dma_wait3A_46 = tpu.memref_slice %arg2[%dma_wait3A, %multiple_of3A] : memref<200x4096xi32, #tpu.memory_space<hbm>> -> memref<200x128xi32, #tpu.memory_space<hbm>>
      %dma_wait3A_47 = arith.constant 0 : i32
      %dma_wait3A_48 = tpu.memref_slice %arg2[%dma_wait3A_47, %multiple_of3A] : memref<200x4096xi32, #tpu.memory_space<hbm>> -> memref<200x128xi32, #tpu.memory_space<hbm>>
      tpu.wait_dma2 semaphore(%run_scoped3A : memref<!tpu.dma_semaphore, #tpu.memory_space<semaphore_mem>>) src(%dma_wait3A_48 : memref<200x128xi32, #tpu.memory_space<hbm>>) dst(%arg5 : memref<200x128xi32, #tpu.memory_space<vmem>>)
      tpu.yield
    }) : () -> ()
    %broadcast_in_dim3A = arith.constant 0xFF800000 : f32
    %broadcast_in_dim3A_3 = vector.broadcast %broadcast_in_dim3A : f32 to vector<16xf32>
    %scan3A = arith.constant 0 : i32
    %scan3A_4 = arith.constant 0 : i32
    %scan3A_5 = arith.constant 128 : i32
    %scan3A_6 = arith.addi %scan3A_4, %scan3A_5 : i32
    %scan3A_7 = arith.constant 1 : i32
    scf.for %scan3A_42 = %scan3A_4 to %scan3A_6 step %scan3A_7  : i32 {
      %swap3A = arith.index_cast %scan3A_42 : i32 to index
      %swap3A_43 = arith.constant 0 : index
      %swap3A_44 = tpu.vector_load %arg6[%swap3A, %swap3A_43] {strides = array<i32>} : memref<128x128xf32, #tpu.memory_space<vmem>>, vector<1x16xf32>,
      %swap3A_45 = vector.shape_cast %swap3A_44 : vector<1x16xf32> to vector<16xf32>
      %swap3A_46 = vector.shape_cast %broadcast_in_dim3A_3 : vector<16xf32> to vector<1x16xf32>
      tpu.vector_store %arg6[%swap3A, %swap3A_43], %swap3A_46 {strides = array<i32>} : memref<128x128xf32, #tpu.memory_space<vmem>>, vector<1x16xf32>,
      %swap3A_47 = arith.index_cast %scan3A_42 : i32 to index
      %swap3A_48 = arith.constant 16 : index
      %swap3A_49 = tpu.vector_load %arg6[%swap3A_47, %swap3A_48] {strides = array<i32>} : memref<128x128xf32, #tpu.memory_space<vmem>>, vector<1x16xf32>,
      %swap3A_50 = vector.shape_cast %swap3A_49 : vector<1x16xf32> to vector<16xf32>
      %swap3A_51 = vector.shape_cast %broadcast_in_dim3A_3 : vector<16xf32> to vector<1x16xf32>
      tpu.vector_store %arg6[%swap3A_47, %swap3A_48], %swap3A_51 {strides = array<i32>} : memref<128x128xf32, #tpu.memory_space<vmem>>, vector<1x16xf32>,
      %swap3A_52 = arith.index_cast %scan3A_42 : i32 to index
      %swap3A_53 = arith.constant 32 : index
      %swap3A_54 = tpu.vector_load %arg6[%swap3A_52, %swap3A_53] {strides = array<i32>} : memref<128x128xf32, #tpu.memory_space<vmem>>, vector<1x16xf32>,
      %swap3A_55 = vector.shape_cast %swap3A_54 : vector<1x16xf32> to vector<16xf32>
      %swap3A_56 = vector.shape_cast %broadcast_in_dim3A_3 : vector<16xf32> to vector<1x16xf32>
      tpu.vector_store %arg6[%swap3A_52, %swap3A_53], %swap3A_56 {strides = array<i32>} : memref<128x128xf32, #tpu.memory_space<vmem>>, vector<1x16xf32>,
      %swap3A_57 = arith.index_cast %scan3A_42 : i32 to index
      %swap3A_58 = arith.constant 48 : index
      %swap3A_59 = tpu.vector_load %arg6[%swap3A_57, %swap3A_58] {strides = array<i32>} : memref<128x128xf32, #tpu.memory_space<vmem>>, vector<1x16xf32>,
      %swap3A_60 = vector.shape_cast %swap3A_59 : vector<1x16xf32> to vector<16xf32>
      %swap3A_61 = vector.shape_cast %broadcast_in_dim3A_3 : vector<16xf32> to vector<1x16xf32>
      tpu.vector_store %arg6[%swap3A_57, %swap3A_58], %swap3A_61 {strides = array<i32>} : memref<128x128xf32, #tpu.memory_space<vmem>>, vector<1x16xf32>,
    }
    %scan3A_8 = arith.constant 128 : i32
    %dma_start3A = arith.constant 0 : i32
    %dma_start3A_9 = arith.constant 0 : i32
    %dma_start3A_10 = tpu.memref_slice %arg5[%dma_start3A, %dma_start3A_9] : memref<200x128xi32, #tpu.memory_space<vmem>> -> memref<1x128xi32, #tpu.memory_space<vmem>>
    %dma_start3A_11 = tpu.memref_squeeze %dma_start3A_10 : memref<1x128xi32, #tpu.memory_space<vmem>> -> memref<128xi32, #tpu.memory_space<vmem>>
    %dma_start3A_12 = arith.constant 0 : i32
    %dma_start3A_13 = arith.constant 0 : i32
    %dma_start3A_14 = tpu.memref_slice %arg3[%dma_start3A_12, %dma_start3A_13] : memref<1000000x128xf32, #tpu.memory_space<hbm>> -> memref<1000000x128xf32, #tpu.memory_space<hbm>>
    tpu.enqueue_indirect_dma source(%dma_start3A_14 : memref<1000000x128xf32, #tpu.memory_space<hbm>>) target(%arg7 : memref<128x128xf32, #tpu.memory_space<vmem>>) offsets(%dma_start3A_11 : memref<128xi32, #tpu.memory_space<vmem>>) semaphore(%arg11 : memref<!tpu.dma_semaphore, #tpu.memory_space<semaphore_mem>>)
    %dma_start3A_15 = arith.constant 1 : i32
    %dma_start3A_16 = arith.constant 0 : i32
    %dma_start3A_17 = tpu.memref_slice %arg5[%dma_start3A_15, %dma_start3A_16] : memref<200x128xi32, #tpu.memory_space<vmem>> -> memref<1x128xi32, #tpu.memory_space<vmem>>
    %dma_start3A_18 = tpu.memref_squeeze %dma_start3A_17 : memref<1x128xi32, #tpu.memory_space<vmem>> -> memref<128xi32, #tpu.memory_space<vmem>>
    %dma_start3A_19 = arith.constant 0 : i32
    %dma_start3A_20 = arith.constant 0 : i32
    %dma_start3A_21 = tpu.memref_slice %arg3[%dma_start3A_19, %dma_start3A_20] : memref<1000000x128xf32, #tpu.memory_space<hbm>> -> memref<1000000x128xf32, #tpu.memory_space<hbm>>
    tpu.enqueue_indirect_dma source(%dma_start3A_21 : memref<1000000x128xf32, #tpu.memory_space<hbm>>) target(%arg8 : memref<128x128xf32, #tpu.memory_space<vmem>>) offsets(%dma_start3A_18 : memref<128xi32, #tpu.memory_space<vmem>>) semaphore(%arg12 : memref<!tpu.dma_semaphore, #tpu.memory_space<semaphore_mem>>)
    %dma_start3A_22 = arith.constant 2 : i32
    %dma_start3A_23 = arith.constant 0 : i32
    %dma_start3A_24 = tpu.memref_slice %arg5[%dma_start3A_22, %dma_start3A_23] : memref<200x128xi32, #tpu.memory_space<vmem>> -> memref<1x128xi32, #tpu.memory_space<vmem>>
    %dma_start3A_25 = tpu.memref_squeeze %dma_start3A_24 : memref<1x128xi32, #tpu.memory_space<vmem>> -> memref<128xi32, #tpu.memory_space<vmem>>
    %dma_start3A_26 = arith.constant 0 : i32
    %dma_start3A_27 = arith.constant 0 : i32
    %dma_start3A_28 = tpu.memref_slice %arg3[%dma_start3A_26, %dma_start3A_27] : memref<1000000x128xf32, #tpu.memory_space<hbm>> -> memref<1000000x128xf32, #tpu.memory_space<hbm>>
    tpu.enqueue_indirect_dma source(%dma_start3A_28 : memref<1000000x128xf32, #tpu.memory_space<hbm>>) target(%arg9 : memref<128x128xf32, #tpu.memory_space<vmem>>) offsets(%dma_start3A_25 : memref<128xi32, #tpu.memory_space<vmem>>) semaphore(%arg13 : memref<!tpu.dma_semaphore, #tpu.memory_space<semaphore_mem>>)
    %dma_start3A_29 = arith.constant 3 : i32
    %dma_start3A_30 = arith.constant 0 : i32
    %dma_start3A_31 = tpu.memref_slice %arg5[%dma_start3A_29, %dma_start3A_30] : memref<200x128xi32, #tpu.memory_space<vmem>> -> memref<1x128xi32, #tpu.memory_space<vmem>>
    %dma_start3A_32 = tpu.memref_squeeze %dma_start3A_31 : memref<1x128xi32, #tpu.memory_space<vmem>> -> memref<128xi32, #tpu.memory_space<vmem>>
    %dma_start3A_33 = arith.constant 0 : i32
    %dma_start3A_34 = arith.constant 0 : i32
    %dma_start3A_35 = tpu.memref_slice %arg3[%dma_start3A_33, %dma_start3A_34] : memref<1000000x128xf32, #tpu.memory_space<hbm>> -> memref<1000000x128xf32, #tpu.memory_space<hbm>>
    tpu.enqueue_indirect_dma source(%dma_start3A_35 : memref<1000000x128xf32, #tpu.memory_space<hbm>>) target(%arg10 : memref<128x128xf32, #tpu.memory_space<vmem>>) offsets(%dma_start3A_32 : memref<128xi32, #tpu.memory_space<vmem>>) semaphore(%arg14 : memref<!tpu.dma_semaphore, #tpu.memory_space<semaphore_mem>>)
    %scan3A_36 = arith.constant 0 : i32
    %scan3A_37 = arith.constant 0 : i32
    %scan3A_38 = arith.constant 50 : i32
    %scan3A_39 = arith.addi %scan3A_37, %scan3A_38 : i32
    %scan3A_40 = arith.constant 1 : i32
    scf.for %scan3A_42 = %scan3A_37 to %scan3A_39 step %scan3A_40  : i32 {
      %mul3A_43 = arith.constant 4 : i32
      %mul3A_44 = arith.muli %scan3A_42, %mul3A_43 : i32
      %add3A_45 = arith.constant 0 : i32
      %add3A_46 = arith.addi %mul3A_44, %add3A_45 : i32
      %dma_wait3A = arith.constant 0 : i32
      %dma_wait3A_47 = tpu.memref_slice %arg5[%add3A_46, %dma_wait3A] : memref<200x128xi32, #tpu.memory_space<vmem>> -> memref<1x128xi32, #tpu.memory_space<vmem>>
      %dma_wait3A_48 = tpu.memref_squeeze %dma_wait3A_47 : memref<1x128xi32, #tpu.memory_space<vmem>> -> memref<128xi32, #tpu.memory_space<vmem>>
      %dma_wait3A_49 = arith.constant 0 : i32
      %dma_wait3A_50 = arith.constant 0 : i32
      %dma_wait3A_51 = tpu.memref_slice %arg3[%dma_wait3A_49, %dma_wait3A_50] : memref<1000000x128xf32, #tpu.memory_space<hbm>> -> memref<1000000x128xf32, #tpu.memory_space<hbm>>
      tpu.wait_indirect_dma semaphore(%arg11 : memref<!tpu.dma_semaphore, #tpu.memory_space<semaphore_mem>>) src(%dma_wait3A_51 : memref<1000000x128xf32, #tpu.memory_space<hbm>>) dst(%arg7 : memref<128x128xf32, #tpu.memory_space<vmem>>)
      %scan3A_52 = arith.constant 0 : i32
      %scan3A_53 = arith.constant 0 : i32
      %scan3A_54 = arith.constant 128 : i32
      %scan3A_55 = arith.addi %scan3A_53, %scan3A_54 : i32
      %scan3A_56 = arith.constant 1 : i32
      scf.for %scan3A_131 = %scan3A_53 to %scan3A_55 step %scan3A_56  : i32 {
        %get3A = arith.index_cast %scan3A_131 : i32 to index
        %get3A_132 = arith.constant 0 : index
        %get3A_133 = tpu.vector_load %arg6[%get3A, %get3A_132] {strides = array<i32>} : memref<128x128xf32, #tpu.memory_space<vmem>>, vector<1x16xf32>,
        %get3A_134 = vector.shape_cast %get3A_133 : vector<1x16xf32> to vector<16xf32>
        %get3A_135 = arith.index_cast %scan3A_131 : i32 to index
        %get3A_136 = arith.constant 0 : index
        %get3A_137 = tpu.vector_load %arg7[%get3A_135, %get3A_136] {strides = array<i32>} : memref<128x128xf32, #tpu.memory_space<vmem>>, vector<1x16xf32>,
        %get3A_138 = vector.shape_cast %get3A_137 : vector<1x16xf32> to vector<16xf32>
        %max3A = arith.maximumf %get3A_134, %get3A_138 : vector<16xf32>
        %swap3A = arith.index_cast %scan3A_131 : i32 to index
        %swap3A_139 = arith.constant 0 : index
        %swap3A_140 = tpu.vector_load %arg6[%swap3A, %swap3A_139] {strides = array<i32>} : memref<128x128xf32, #tpu.memory_space<vmem>>, vector<1x16xf32>,
        %swap3A_141 = vector.shape_cast %swap3A_140 : vector<1x16xf32> to vector<16xf32>
        %swap3A_142 = vector.shape_cast %max3A : vector<16xf32> to vector<1x16xf32>
        tpu.vector_store %arg6[%swap3A, %swap3A_139], %swap3A_142 {strides = array<i32>} : memref<128x128xf32, #tpu.memory_space<vmem>>, vector<1x16xf32>,
        %get3A_143 = arith.index_cast %scan3A_131 : i32 to index
        %get3A_144 = arith.constant 16 : index
        %get3A_145 = tpu.vector_load %arg6[%get3A_143, %get3A_144] {strides = array<i32>} : memref<128x128xf32, #tpu.memory_space<vmem>>, vector<1x16xf32>,
        %get3A_146 = vector.shape_cast %get3A_145 : vector<1x16xf32> to vector<16xf32>
        %get3A_147 = arith.index_cast %scan3A_131 : i32 to index
        %get3A_148 = arith.constant 16 : index
        %get3A_149 = tpu.vector_load %arg7[%get3A_147, %get3A_148] {strides = array<i32>} : memref<128x128xf32, #tpu.memory_space<vmem>>, vector<1x16xf32>,
        %get3A_150 = vector.shape_cast %get3A_149 : vector<1x16xf32> to vector<16xf32>
        %max3A_151 = arith.maximumf %get3A_146, %get3A_150 : vector<16xf32>
        %swap3A_152 = arith.index_cast %scan3A_131 : i32 to index
        %swap3A_153 = arith.constant 16 : index
        %swap3A_154 = tpu.vector_load %arg6[%swap3A_152, %swap3A_153] {strides = array<i32>} : memref<128x128xf32, #tpu.memory_space<vmem>>, vector<1x16xf32>,
        %swap3A_155 = vector.shape_cast %swap3A_154 : vector<1x16xf32> to vector<16xf32>
        %swap3A_156 = vector.shape_cast %max3A_151 : vector<16xf32> to vector<1x16xf32>
        tpu.vector_store %arg6[%swap3A_152, %swap3A_153], %swap3A_156 {strides = array<i32>} : memref<128x128xf32, #tpu.memory_space<vmem>>, vector<1x16xf32>,
        %get3A_157 = arith.index_cast %scan3A_131 : i32 to index
        %get3A_158 = arith.constant 32 : index
        %get3A_159 = tpu.vector_load %arg6[%get3A_157, %get3A_158] {strides = array<i32>} : memref<128x128xf32, #tpu.memory_space<vmem>>, vector<1x16xf32>,
        %get3A_160 = vector.shape_cast %get3A_159 : vector<1x16xf32> to vector<16xf32>
        %get3A_161 = arith.index_cast %scan3A_131 : i32 to index
        %get3A_162 = arith.constant 32 : index
        %get3A_163 = tpu.vector_load %arg7[%get3A_161, %get3A_162] {strides = array<i32>} : memref<128x128xf32, #tpu.memory_space<vmem>>, vector<1x16xf32>,
        %get3A_164 = vector.shape_cast %get3A_163 : vector<1x16xf32> to vector<16xf32>
        %max3A_165 = arith.maximumf %get3A_160, %get3A_164 : vector<16xf32>
        %swap3A_166 = arith.index_cast %scan3A_131 : i32 to index
        %swap3A_167 = arith.constant 32 : index
        %swap3A_168 = tpu.vector_load %arg6[%swap3A_166, %swap3A_167] {strides = array<i32>} : memref<128x128xf32, #tpu.memory_space<vmem>>, vector<1x16xf32>,
        %swap3A_169 = vector.shape_cast %swap3A_168 : vector<1x16xf32> to vector<16xf32>
        %swap3A_170 = vector.shape_cast %max3A_165 : vector<16xf32> to vector<1x16xf32>
        tpu.vector_store %arg6[%swap3A_166, %swap3A_167], %swap3A_170 {strides = array<i32>} : memref<128x128xf32, #tpu.memory_space<vmem>>, vector<1x16xf32>,
        %get3A_171 = arith.index_cast %scan3A_131 : i32 to index
        %get3A_172 = arith.constant 48 : index
        %get3A_173 = tpu.vector_load %arg6[%get3A_171, %get3A_172] {strides = array<i32>} : memref<128x128xf32, #tpu.memory_space<vmem>>, vector<1x16xf32>,
        %get3A_174 = vector.shape_cast %get3A_173 : vector<1x16xf32> to vector<16xf32>
        %get3A_175 = arith.index_cast %scan3A_131 : i32 to index
        %get3A_176 = arith.constant 48 : index
        %get3A_177 = tpu.vector_load %arg7[%get3A_175, %get3A_176] {strides = array<i32>} : memref<128x128xf32, #tpu.memory_space<vmem>>, vector<1x16xf32>,
        %get3A_178 = vector.shape_cast %get3A_177 : vector<1x16xf32> to vector<16xf32>
        %max3A_179 = arith.maximumf %get3A_174, %get3A_178 : vector<16xf32>
        %swap3A_180 = arith.index_cast %scan3A_131 : i32 to index
        %swap3A_181 = arith.constant 48 : index
        %swap3A_182 = tpu.vector_load %arg6[%swap3A_180, %swap3A_181] {strides = array<i32>} : memref<128x128xf32, #tpu.memory_space<vmem>>, vector<1x16xf32>,
        %swap3A_183 = vector.shape_cast %swap3A_182 : vector<1x16xf32> to vector<16xf32>
        %swap3A_184 = vector.shape_cast %max3A_179 : vector<16xf32> to vector<1x16xf32>
        tpu.vector_store %arg6[%swap3A_180, %swap3A_181], %swap3A_184 {strides = array<i32>} : memref<128x128xf32, #tpu.memory_space<vmem>>, vector<1x16xf32>,
      }
      %scan3A_57 = arith.constant 128 : i32
      %add3A_58 = arith.constant 4 : i32
      %add3A_59 = arith.addi %add3A_46, %add3A_58 : i32
      %lt3A = arith.constant 200 : i32
      %lt3A_60 = arith.cmpi slt, %add3A_59, %lt3A : i32
      %convert_element_type3A = arith.extui %lt3A_60 : i1 to i32
      %cond3A = arith.constant 0 : i32
      %cond3A_61 = arith.cmpi ne, %convert_element_type3A, %cond3A : i32
      scf.if %cond3A_61 {
        %dma_start3A_131 = arith.constant 0 : i32
        %dma_start3A_132 = tpu.memref_slice %arg5[%add3A_59, %dma_start3A_131] : memref<200x128xi32, #tpu.memory_space<vmem>> -> memref<1x128xi32, #tpu.memory_space<vmem>>
        %dma_start3A_133 = tpu.memref_squeeze %dma_start3A_132 : memref<1x128xi32, #tpu.memory_space<vmem>> -> memref<128xi32, #tpu.memory_space<vmem>>
        %dma_start3A_134 = arith.constant 0 : i32
        %dma_start3A_135 = arith.constant 0 : i32
        %dma_start3A_136 = tpu.memref_slice %arg3[%dma_start3A_134, %dma_start3A_135] : memref<1000000x128xf32, #tpu.memory_space<hbm>> -> memref<1000000x128xf32, #tpu.memory_space<hbm>>
        tpu.enqueue_indirect_dma source(%dma_start3A_136 : memref<1000000x128xf32, #tpu.memory_space<hbm>>) target(%arg7 : memref<128x128xf32, #tpu.memory_space<vmem>>) offsets(%dma_start3A_133 : memref<128xi32, #tpu.memory_space<vmem>>) semaphore(%arg11 : memref<!tpu.dma_semaphore, #tpu.memory_space<semaphore_mem>>)
      } else {
      }
      %mul3A_62 = arith.constant 4 : i32
      %mul3A_63 = arith.muli %scan3A_42, %mul3A_62 : i32
      %add3A_64 = arith.constant 1 : i32
      %add3A_65 = arith.addi %mul3A_63, %add3A_64 : i32
      %dma_wait3A_66 = arith.constant 0 : i32
      %dma_wait3A_67 = tpu.memref_slice %arg5[%add3A_65, %dma_wait3A_66] : memref<200x128xi32, #tpu.memory_space<vmem>> -> memref<1x128xi32, #tpu.memory_space<vmem>>
      %dma_wait3A_68 = tpu.memref_squeeze %dma_wait3A_67 : memref<1x128xi32, #tpu.memory_space<vmem>> -> memref<128xi32, #tpu.memory_space<vmem>>
      %dma_wait3A_69 = arith.constant 0 : i32
      %dma_wait3A_70 = arith.constant 0 : i32
      %dma_wait3A_71 = tpu.memref_slice %arg3[%dma_wait3A_69, %dma_wait3A_70] : memref<1000000x128xf32, #tpu.memory_space<hbm>> -> memref<1000000x128xf32, #tpu.memory_space<hbm>>
      tpu.wait_indirect_dma semaphore(%arg12 : memref<!tpu.dma_semaphore, #tpu.memory_space<semaphore_mem>>) src(%dma_wait3A_71 : memref<1000000x128xf32, #tpu.memory_space<hbm>>) dst(%arg8 : memref<128x128xf32, #tpu.memory_space<vmem>>)
      %scan3A_72 = arith.constant 0 : i32
      %scan3A_73 = arith.constant 0 : i32
      %scan3A_74 = arith.constant 128 : i32
      %scan3A_75 = arith.addi %scan3A_73, %scan3A_74 : i32
      %scan3A_76 = arith.constant 1 : i32
      scf.for %scan3A_131 = %scan3A_73 to %scan3A_75 step %scan3A_76  : i32 {
        %get3A = arith.index_cast %scan3A_131 : i32 to index
        %get3A_132 = arith.constant 0 : index
        %get3A_133 = tpu.vector_load %arg6[%get3A, %get3A_132] {strides = array<i32>} : memref<128x128xf32, #tpu.memory_space<vmem>>, vector<1x16xf32>,
        %get3A_134 = vector.shape_cast %get3A_133 : vector<1x16xf32> to vector<16xf32>
        %get3A_135 = arith.index_cast %scan3A_131 : i32 to index
        %get3A_136 = arith.constant 0 : index
        %get3A_137 = tpu.vector_load %arg8[%get3A_135, %get3A_136] {strides = array<i32>} : memref<128x128xf32, #tpu.memory_space<vmem>>, vector<1x16xf32>,
        %get3A_138 = vector.shape_cast %get3A_137 : vector<1x16xf32> to vector<16xf32>
        %max3A = arith.maximumf %get3A_134, %get3A_138 : vector<16xf32>
        %swap3A = arith.index_cast %scan3A_131 : i32 to index
        %swap3A_139 = arith.constant 0 : index
        %swap3A_140 = tpu.vector_load %arg6[%swap3A, %swap3A_139] {strides = array<i32>} : memref<128x128xf32, #tpu.memory_space<vmem>>, vector<1x16xf32>,
        %swap3A_141 = vector.shape_cast %swap3A_140 : vector<1x16xf32> to vector<16xf32>
        %swap3A_142 = vector.shape_cast %max3A : vector<16xf32> to vector<1x16xf32>
        tpu.vector_store %arg6[%swap3A, %swap3A_139], %swap3A_142 {strides = array<i32>} : memref<128x128xf32, #tpu.memory_space<vmem>>, vector<1x16xf32>,
        %get3A_143 = arith.index_cast %scan3A_131 : i32 to index
        %get3A_144 = arith.constant 16 : index
        %get3A_145 = tpu.vector_load %arg6[%get3A_143, %get3A_144] {strides = array<i32>} : memref<128x128xf32, #tpu.memory_space<vmem>>, vector<1x16xf32>,
        %get3A_146 = vector.shape_cast %get3A_145 : vector<1x16xf32> to vector<16xf32>
        %get3A_147 = arith.index_cast %scan3A_131 : i32 to index
        %get3A_148 = arith.constant 16 : index
        %get3A_149 = tpu.vector_load %arg8[%get3A_147, %get3A_148] {strides = array<i32>} : memref<128x128xf32, #tpu.memory_space<vmem>>, vector<1x16xf32>,
        %get3A_150 = vector.shape_cast %get3A_149 : vector<1x16xf32> to vector<16xf32>
        %max3A_151 = arith.maximumf %get3A_146, %get3A_150 : vector<16xf32>
        %swap3A_152 = arith.index_cast %scan3A_131 : i32 to index
        %swap3A_153 = arith.constant 16 : index
        %swap3A_154 = tpu.vector_load %arg6[%swap3A_152, %swap3A_153] {strides = array<i32>} : memref<128x128xf32, #tpu.memory_space<vmem>>, vector<1x16xf32>,
        %swap3A_155 = vector.shape_cast %swap3A_154 : vector<1x16xf32> to vector<16xf32>
        %swap3A_156 = vector.shape_cast %max3A_151 : vector<16xf32> to vector<1x16xf32>
        tpu.vector_store %arg6[%swap3A_152, %swap3A_153], %swap3A_156 {strides = array<i32>} : memref<128x128xf32, #tpu.memory_space<vmem>>, vector<1x16xf32>,
        %get3A_157 = arith.index_cast %scan3A_131 : i32 to index
        %get3A_158 = arith.constant 32 : index
        %get3A_159 = tpu.vector_load %arg6[%get3A_157, %get3A_158] {strides = array<i32>} : memref<128x128xf32, #tpu.memory_space<vmem>>, vector<1x16xf32>,
        %get3A_160 = vector.shape_cast %get3A_159 : vector<1x16xf32> to vector<16xf32>
        %get3A_161 = arith.index_cast %scan3A_131 : i32 to index
        %get3A_162 = arith.constant 32 : index
        %get3A_163 = tpu.vector_load %arg8[%get3A_161, %get3A_162] {strides = array<i32>} : memref<128x128xf32, #tpu.memory_space<vmem>>, vector<1x16xf32>,
        %get3A_164 = vector.shape_cast %get3A_163 : vector<1x16xf32> to vector<16xf32>
        %max3A_165 = arith.maximumf %get3A_160, %get3A_164 : vector<16xf32>
        %swap3A_166 = arith.index_cast %scan3A_131 : i32 to index
        %swap3A_167 = arith.constant 32 : index
        %swap3A_168 = tpu.vector_load %arg6[%swap3A_166, %swap3A_167] {strides = array<i32>} : memref<128x128xf32, #tpu.memory_space<vmem>>, vector<1x16xf32>,
        %swap3A_169 = vector.shape_cast %swap3A_168 : vector<1x16xf32> to vector<16xf32>
        %swap3A_170 = vector.shape_cast %max3A_165 : vector<16xf32> to vector<1x16xf32>
        tpu.vector_store %arg6[%swap3A_166, %swap3A_167], %swap3A_170 {strides = array<i32>} : memref<128x128xf32, #tpu.memory_space<vmem>>, vector<1x16xf32>,
        %get3A_171 = arith.index_cast %scan3A_131 : i32 to index
        %get3A_172 = arith.constant 48 : index
        %get3A_173 = tpu.vector_load %arg6[%get3A_171, %get3A_172] {strides = array<i32>} : memref<128x128xf32, #tpu.memory_space<vmem>>, vector<1x16xf32>,
        %get3A_174 = vector.shape_cast %get3A_173 : vector<1x16xf32> to vector<16xf32>
        %get3A_175 = arith.index_cast %scan3A_131 : i32 to index
        %get3A_176 = arith.constant 48 : index
        %get3A_177 = tpu.vector_load %arg8[%get3A_175, %get3A_176] {strides = array<i32>} : memref<128x128xf32, #tpu.memory_space<vmem>>, vector<1x16xf32>,
        %get3A_178 = vector.shape_cast %get3A_177 : vector<1x16xf32> to vector<16xf32>
        %max3A_179 = arith.maximumf %get3A_174, %get3A_178 : vector<16xf32>
        %swap3A_180 = arith.index_cast %scan3A_131 : i32 to index
        %swap3A_181 = arith.constant 48 : index
        %swap3A_182 = tpu.vector_load %arg6[%swap3A_180, %swap3A_181] {strides = array<i32>} : memref<128x128xf32, #tpu.memory_space<vmem>>, vector<1x16xf32>,
        %swap3A_183 = vector.shape_cast %swap3A_182 : vector<1x16xf32> to vector<16xf32>
        %swap3A_184 = vector.shape_cast %max3A_179 : vector<16xf32> to vector<1x16xf32>
        tpu.vector_store %arg6[%swap3A_180, %swap3A_181], %swap3A_184 {strides = array<i32>} : memref<128x128xf32, #tpu.memory_space<vmem>>, vector<1x16xf32>,
      }
      %scan3A_77 = arith.constant 128 : i32
      %add3A_78 = arith.constant 4 : i32
      %add3A_79 = arith.addi %add3A_65, %add3A_78 : i32
      %lt3A_80 = arith.constant 200 : i32
      %lt3A_81 = arith.cmpi slt, %add3A_79, %lt3A_80 : i32
      %convert_element_type3A_82 = arith.extui %lt3A_81 : i1 to i32
      %cond3A_83 = arith.constant 0 : i32
      %cond3A_84 = arith.cmpi ne, %convert_element_type3A_82, %cond3A_83 : i32
      scf.if %cond3A_84 {
        %dma_start3A_131 = arith.constant 0 : i32
        %dma_start3A_132 = tpu.memref_slice %arg5[%add3A_79, %dma_start3A_131] : memref<200x128xi32, #tpu.memory_space<vmem>> -> memref<1x128xi32, #tpu.memory_space<vmem>>
        %dma_start3A_133 = tpu.memref_squeeze %dma_start3A_132 : memref<1x128xi32, #tpu.memory_space<vmem>> -> memref<128xi32, #tpu.memory_space<vmem>>
        %dma_start3A_134 = arith.constant 0 : i32
        %dma_start3A_135 = arith.constant 0 : i32
        %dma_start3A_136 = tpu.memref_slice %arg3[%dma_start3A_134, %dma_start3A_135] : memref<1000000x128xf32, #tpu.memory_space<hbm>> -> memref<1000000x128xf32, #tpu.memory_space<hbm>>
        tpu.enqueue_indirect_dma source(%dma_start3A_136 : memref<1000000x128xf32, #tpu.memory_space<hbm>>) target(%arg8 : memref<128x128xf32, #tpu.memory_space<vmem>>) offsets(%dma_start3A_133 : memref<128xi32, #tpu.memory_space<vmem>>) semaphore(%arg12 : memref<!tpu.dma_semaphore, #tpu.memory_space<semaphore_mem>>)
      } else {
      }
      %mul3A_85 = arith.constant 4 : i32
      %mul3A_86 = arith.muli %scan3A_42, %mul3A_85 : i32
      %add3A_87 = arith.constant 2 : i32
      %add3A_88 = arith.addi %mul3A_86, %add3A_87 : i32
      %dma_wait3A_89 = arith.constant 0 : i32
      %dma_wait3A_90 = tpu.memref_slice %arg5[%add3A_88, %dma_wait3A_89] : memref<200x128xi32, #tpu.memory_space<vmem>> -> memref<1x128xi32, #tpu.memory_space<vmem>>
      %dma_wait3A_91 = tpu.memref_squeeze %dma_wait3A_90 : memref<1x128xi32, #tpu.memory_space<vmem>> -> memref<128xi32, #tpu.memory_space<vmem>>
      %dma_wait3A_92 = arith.constant 0 : i32
      %dma_wait3A_93 = arith.constant 0 : i32
      %dma_wait3A_94 = tpu.memref_slice %arg3[%dma_wait3A_92, %dma_wait3A_93] : memref<1000000x128xf32, #tpu.memory_space<hbm>> -> memref<1000000x128xf32, #tpu.memory_space<hbm>>
      tpu.wait_indirect_dma semaphore(%arg13 : memref<!tpu.dma_semaphore, #tpu.memory_space<semaphore_mem>>) src(%dma_wait3A_94 : memref<1000000x128xf32, #tpu.memory_space<hbm>>) dst(%arg9 : memref<128x128xf32, #tpu.memory_space<vmem>>)
      %scan3A_95 = arith.constant 0 : i32
      %scan3A_96 = arith.constant 0 : i32
      %scan3A_97 = arith.constant 128 : i32
      %scan3A_98 = arith.addi %scan3A_96, %scan3A_97 : i32
      %scan3A_99 = arith.constant 1 : i32
      scf.for %scan3A_131 = %scan3A_96 to %scan3A_98 step %scan3A_99  : i32 {
        %get3A = arith.index_cast %scan3A_131 : i32 to index
        %get3A_132 = arith.constant 0 : index
        %get3A_133 = tpu.vector_load %arg6[%get3A, %get3A_132] {strides = array<i32>} : memref<128x128xf32, #tpu.memory_space<vmem>>, vector<1x16xf32>,
        %get3A_134 = vector.shape_cast %get3A_133 : vector<1x16xf32> to vector<16xf32>
        %get3A_135 = arith.index_cast %scan3A_131 : i32 to index
        %get3A_136 = arith.constant 0 : index
        %get3A_137 = tpu.vector_load %arg9[%get3A_135, %get3A_136] {strides = array<i32>} : memref<128x128xf32, #tpu.memory_space<vmem>>, vector<1x16xf32>,
        %get3A_138 = vector.shape_cast %get3A_137 : vector<1x16xf32> to vector<16xf32>
        %max3A = arith.maximumf %get3A_134, %get3A_138 : vector<16xf32>
        %swap3A = arith.index_cast %scan3A_131 : i32 to index
        %swap3A_139 = arith.constant 0 : index
        %swap3A_140 = tpu.vector_load %arg6[%swap3A, %swap3A_139] {strides = array<i32>} : memref<128x128xf32, #tpu.memory_space<vmem>>, vector<1x16xf32>,
        %swap3A_141 = vector.shape_cast %swap3A_140 : vector<1x16xf32> to vector<16xf32>
        %swap3A_142 = vector.shape_cast %max3A : vector<16xf32> to vector<1x16xf32>
        tpu.vector_store %arg6[%swap3A, %swap3A_139], %swap3A_142 {strides = array<i32>} : memref<128x128xf32, #tpu.memory_space<vmem>>, vector<1x16xf32>,
        %get3A_143 = arith.index_cast %scan3A_131 : i32 to index
        %get3A_144 = arith.constant 16 : index
        %get3A_145 = tpu.vector_load %arg6[%get3A_143, %get3A_144] {strides = array<i32>} : memref<128x128xf32, #tpu.memory_space<vmem>>, vector<1x16xf32>,
        %get3A_146 = vector.shape_cast %get3A_145 : vector<1x16xf32> to vector<16xf32>
        %get3A_147 = arith.index_cast %scan3A_131 : i32 to index
        %get3A_148 = arith.constant 16 : index
        %get3A_149 = tpu.vector_load %arg9[%get3A_147, %get3A_148] {strides = array<i32>} : memref<128x128xf32, #tpu.memory_space<vmem>>, vector<1x16xf32>,
        %get3A_150 = vector.shape_cast %get3A_149 : vector<1x16xf32> to vector<16xf32>
        %max3A_151 = arith.maximumf %get3A_146, %get3A_150 : vector<16xf32>
        %swap3A_152 = arith.index_cast %scan3A_131 : i32 to index
        %swap3A_153 = arith.constant 16 : index
        %swap3A_154 = tpu.vector_load %arg6[%swap3A_152, %swap3A_153] {strides = array<i32>} : memref<128x128xf32, #tpu.memory_space<vmem>>, vector<1x16xf32>,
        %swap3A_155 = vector.shape_cast %swap3A_154 : vector<1x16xf32> to vector<16xf32>
        %swap3A_156 = vector.shape_cast %max3A_151 : vector<16xf32> to vector<1x16xf32>
        tpu.vector_store %arg6[%swap3A_152, %swap3A_153], %swap3A_156 {strides = array<i32>} : memref<128x128xf32, #tpu.memory_space<vmem>>, vector<1x16xf32>,
        %get3A_157 = arith.index_cast %scan3A_131 : i32 to index
        %get3A_158 = arith.constant 32 : index
        %get3A_159 = tpu.vector_load %arg6[%get3A_157, %get3A_158] {strides = array<i32>} : memref<128x128xf32, #tpu.memory_space<vmem>>, vector<1x16xf32>,
        %get3A_160 = vector.shape_cast %get3A_159 : vector<1x16xf32> to vector<16xf32>
        %get3A_161 = arith.index_cast %scan3A_131 : i32 to index
        %get3A_162 = arith.constant 32 : index
        %get3A_163 = tpu.vector_load %arg9[%get3A_161, %get3A_162] {strides = array<i32>} : memref<128x128xf32, #tpu.memory_space<vmem>>, vector<1x16xf32>,
        %get3A_164 = vector.shape_cast %get3A_163 : vector<1x16xf32> to vector<16xf32>
        %max3A_165 = arith.maximumf %get3A_160, %get3A_164 : vector<16xf32>
        %swap3A_166 = arith.index_cast %scan3A_131 : i32 to index
        %swap3A_167 = arith.constant 32 : index
        %swap3A_168 = tpu.vector_load %arg6[%swap3A_166, %swap3A_167] {strides = array<i32>} : memref<128x128xf32, #tpu.memory_space<vmem>>, vector<1x16xf32>,
        %swap3A_169 = vector.shape_cast %swap3A_168 : vector<1x16xf32> to vector<16xf32>
        %swap3A_170 = vector.shape_cast %max3A_165 : vector<16xf32> to vector<1x16xf32>
        tpu.vector_store %arg6[%swap3A_166, %swap3A_167], %swap3A_170 {strides = array<i32>} : memref<128x128xf32, #tpu.memory_space<vmem>>, vector<1x16xf32>,
        %get3A_171 = arith.index_cast %scan3A_131 : i32 to index
        %get3A_172 = arith.constant 48 : index
        %get3A_173 = tpu.vector_load %arg6[%get3A_171, %get3A_172] {strides = array<i32>} : memref<128x128xf32, #tpu.memory_space<vmem>>, vector<1x16xf32>,
        %get3A_174 = vector.shape_cast %get3A_173 : vector<1x16xf32> to vector<16xf32>
        %get3A_175 = arith.index_cast %scan3A_131 : i32 to index
        %get3A_176 = arith.constant 48 : index
        %get3A_177 = tpu.vector_load %arg9[%get3A_175, %get3A_176] {strides = array<i32>} : memref<128x128xf32, #tpu.memory_space<vmem>>, vector<1x16xf32>,
        %get3A_178 = vector.shape_cast %get3A_177 : vector<1x16xf32> to vector<16xf32>
        %max3A_179 = arith.maximumf %get3A_174, %get3A_178 : vector<16xf32>
        %swap3A_180 = arith.index_cast %scan3A_131 : i32 to index
        %swap3A_181 = arith.constant 48 : index
        %swap3A_182 = tpu.vector_load %arg6[%swap3A_180, %swap3A_181] {strides = array<i32>} : memref<128x128xf32, #tpu.memory_space<vmem>>, vector<1x16xf32>,
        %swap3A_183 = vector.shape_cast %swap3A_182 : vector<1x16xf32> to vector<16xf32>
        %swap3A_184 = vector.shape_cast %max3A_179 : vector<16xf32> to vector<1x16xf32>
        tpu.vector_store %arg6[%swap3A_180, %swap3A_181], %swap3A_184 {strides = array<i32>} : memref<128x128xf32, #tpu.memory_space<vmem>>, vector<1x16xf32>,
      }
      %scan3A_100 = arith.constant 128 : i32
      %add3A_101 = arith.constant 4 : i32
      %add3A_102 = arith.addi %add3A_88, %add3A_101 : i32
      %lt3A_103 = arith.constant 200 : i32
      %lt3A_104 = arith.cmpi slt, %add3A_102, %lt3A_103 : i32
      %convert_element_type3A_105 = arith.extui %lt3A_104 : i1 to i32
      %cond3A_106 = arith.constant 0 : i32
      %cond3A_107 = arith.cmpi ne, %convert_element_type3A_105, %cond3A_106 : i32
      scf.if %cond3A_107 {
        %dma_start3A_131 = arith.constant 0 : i32
        %dma_start3A_132 = tpu.memref_slice %arg5[%add3A_102, %dma_start3A_131] : memref<200x128xi32, #tpu.memory_space<vmem>> -> memref<1x128xi32, #tpu.memory_space<vmem>>
        %dma_start3A_133 = tpu.memref_squeeze %dma_start3A_132 : memref<1x128xi32, #tpu.memory_space<vmem>> -> memref<128xi32, #tpu.memory_space<vmem>>
        %dma_start3A_134 = arith.constant 0 : i32
        %dma_start3A_135 = arith.constant 0 : i32
        %dma_start3A_136 = tpu.memref_slice %arg3[%dma_start3A_134, %dma_start3A_135] : memref<1000000x128xf32, #tpu.memory_space<hbm>> -> memref<1000000x128xf32, #tpu.memory_space<hbm>>
        tpu.enqueue_indirect_dma source(%dma_start3A_136 : memref<1000000x128xf32, #tpu.memory_space<hbm>>) target(%arg9 : memref<128x128xf32, #tpu.memory_space<vmem>>) offsets(%dma_start3A_133 : memref<128xi32, #tpu.memory_space<vmem>>) semaphore(%arg13 : memref<!tpu.dma_semaphore, #tpu.memory_space<semaphore_mem>>)
      } else {
      }
      %mul3A_108 = arith.constant 4 : i32
      %mul3A_109 = arith.muli %scan3A_42, %mul3A_108 : i32
      %add3A_110 = arith.constant 3 : i32
      %add3A_111 = arith.addi %mul3A_109, %add3A_110 : i32
      %dma_wait3A_112 = arith.constant 0 : i32
      %dma_wait3A_113 = tpu.memref_slice %arg5[%add3A_111, %dma_wait3A_112] : memref<200x128xi32, #tpu.memory_space<vmem>> -> memref<1x128xi32, #tpu.memory_space<vmem>>
      %dma_wait3A_114 = tpu.memref_squeeze %dma_wait3A_113 : memref<1x128xi32, #tpu.memory_space<vmem>> -> memref<128xi32, #tpu.memory_space<vmem>>
      %dma_wait3A_115 = arith.constant 0 : i32
      %dma_wait3A_116 = arith.constant 0 : i32
      %dma_wait3A_117 = tpu.memref_slice %arg3[%dma_wait3A_115, %dma_wait3A_116] : memref<1000000x128xf32, #tpu.memory_space<hbm>> -> memref<1000000x128xf32, #tpu.memory_space<hbm>>
      tpu.wait_indirect_dma semaphore(%arg14 : memref<!tpu.dma_semaphore, #tpu.memory_space<semaphore_mem>>) src(%dma_wait3A_117 : memref<1000000x128xf32, #tpu.memory_space<hbm>>) dst(%arg10 : memref<128x128xf32, #tpu.memory_space<vmem>>)
      %scan3A_118 = arith.constant 0 : i32
      %scan3A_119 = arith.constant 0 : i32
      %scan3A_120 = arith.constant 128 : i32
      %scan3A_121 = arith.addi %scan3A_119, %scan3A_120 : i32
      %scan3A_122 = arith.constant 1 : i32
      scf.for %scan3A_131 = %scan3A_119 to %scan3A_121 step %scan3A_122  : i32 {
        %get3A = arith.index_cast %scan3A_131 : i32 to index
        %get3A_132 = arith.constant 0 : index
        %get3A_133 = tpu.vector_load %arg6[%get3A, %get3A_132] {strides = array<i32>} : memref<128x128xf32, #tpu.memory_space<vmem>>, vector<1x16xf32>,
        %get3A_134 = vector.shape_cast %get3A_133 : vector<1x16xf32> to vector<16xf32>
        %get3A_135 = arith.index_cast %scan3A_131 : i32 to index
        %get3A_136 = arith.constant 0 : index
        %get3A_137 = tpu.vector_load %arg10[%get3A_135, %get3A_136] {strides = array<i32>} : memref<128x128xf32, #tpu.memory_space<vmem>>, vector<1x16xf32>,
        %get3A_138 = vector.shape_cast %get3A_137 : vector<1x16xf32> to vector<16xf32>
        %max3A = arith.maximumf %get3A_134, %get3A_138 : vector<16xf32>
        %swap3A = arith.index_cast %scan3A_131 : i32 to index
        %swap3A_139 = arith.constant 0 : index
        %swap3A_140 = tpu.vector_load %arg6[%swap3A, %swap3A_139] {strides = array<i32>} : memref<128x128xf32, #tpu.memory_space<vmem>>, vector<1x16xf32>,
        %swap3A_141 = vector.shape_cast %swap3A_140 : vector<1x16xf32> to vector<16xf32>
        %swap3A_142 = vector.shape_cast %max3A : vector<16xf32> to vector<1x16xf32>
        tpu.vector_store %arg6[%swap3A, %swap3A_139], %swap3A_142 {strides = array<i32>} : memref<128x128xf32, #tpu.memory_space<vmem>>, vector<1x16xf32>,
        %get3A_143 = arith.index_cast %scan3A_131 : i32 to index
        %get3A_144 = arith.constant 16 : index
        %get3A_145 = tpu.vector_load %arg6[%get3A_143, %get3A_144] {strides = array<i32>} : memref<128x128xf32, #tpu.memory_space<vmem>>, vector<1x16xf32>,
        %get3A_146 = vector.shape_cast %get3A_145 : vector<1x16xf32> to vector<16xf32>
        %get3A_147 = arith.index_cast %scan3A_131 : i32 to index
        %get3A_148 = arith.constant 16 : index
        %get3A_149 = tpu.vector_load %arg10[%get3A_147, %get3A_148] {strides = array<i32>} : memref<128x128xf32, #tpu.memory_space<vmem>>, vector<1x16xf32>,
        %get3A_150 = vector.shape_cast %get3A_149 : vector<1x16xf32> to vector<16xf32>
        %max3A_151 = arith.maximumf %get3A_146, %get3A_150 : vector<16xf32>
        %swap3A_152 = arith.index_cast %scan3A_131 : i32 to index
        %swap3A_153 = arith.constant 16 : index
        %swap3A_154 = tpu.vector_load %arg6[%swap3A_152, %swap3A_153] {strides = array<i32>} : memref<128x128xf32, #tpu.memory_space<vmem>>, vector<1x16xf32>,
        %swap3A_155 = vector.shape_cast %swap3A_154 : vector<1x16xf32> to vector<16xf32>
        %swap3A_156 = vector.shape_cast %max3A_151 : vector<16xf32> to vector<1x16xf32>
        tpu.vector_store %arg6[%swap3A_152, %swap3A_153], %swap3A_156 {strides = array<i32>} : memref<128x128xf32, #tpu.memory_space<vmem>>, vector<1x16xf32>,
        %get3A_157 = arith.index_cast %scan3A_131 : i32 to index
        %get3A_158 = arith.constant 32 : index
        %get3A_159 = tpu.vector_load %arg6[%get3A_157, %get3A_158] {strides = array<i32>} : memref<128x128xf32, #tpu.memory_space<vmem>>, vector<1x16xf32>,
        %get3A_160 = vector.shape_cast %get3A_159 : vector<1x16xf32> to vector<16xf32>
        %get3A_161 = arith.index_cast %scan3A_131 : i32 to index
        %get3A_162 = arith.constant 32 : index
        %get3A_163 = tpu.vector_load %arg10[%get3A_161, %get3A_162] {strides = array<i32>} : memref<128x128xf32, #tpu.memory_space<vmem>>, vector<1x16xf32>,
        %get3A_164 = vector.shape_cast %get3A_163 : vector<1x16xf32> to vector<16xf32>
        %max3A_165 = arith.maximumf %get3A_160, %get3A_164 : vector<16xf32>
        %swap3A_166 = arith.index_cast %scan3A_131 : i32 to index
        %swap3A_167 = arith.constant 32 : index
        %swap3A_168 = tpu.vector_load %arg6[%swap3A_166, %swap3A_167] {strides = array<i32>} : memref<128x128xf32, #tpu.memory_space<vmem>>, vector<1x16xf32>,
        %swap3A_169 = vector.shape_cast %swap3A_168 : vector<1x16xf32> to vector<16xf32>
        %swap3A_170 = vector.shape_cast %max3A_165 : vector<16xf32> to vector<1x16xf32>
        tpu.vector_store %arg6[%swap3A_166, %swap3A_167], %swap3A_170 {strides = array<i32>} : memref<128x128xf32, #tpu.memory_space<vmem>>, vector<1x16xf32>,
        %get3A_171 = arith.index_cast %scan3A_131 : i32 to index
        %get3A_172 = arith.constant 48 : index
        %get3A_173 = tpu.vector_load %arg6[%get3A_171, %get3A_172] {strides = array<i32>} : memref<128x128xf32, #tpu.memory_space<vmem>>, vector<1x16xf32>,
        %get3A_174 = vector.shape_cast %get3A_173 : vector<1x16xf32> to vector<16xf32>
        %get3A_175 = arith.index_cast %scan3A_131 : i32 to index
        %get3A_176 = arith.constant 48 : index
        %get3A_177 = tpu.vector_load %arg10[%get3A_175, %get3A_176] {strides = array<i32>} : memref<128x128xf32, #tpu.memory_space<vmem>>, vector<1x16xf32>,
        %get3A_178 = vector.shape_cast %get3A_177 : vector<1x16xf32> to vector<16xf32>
        %max3A_179 = arith.maximumf %get3A_174, %get3A_178 : vector<16xf32>
        %swap3A_180 = arith.index_cast %scan3A_131 : i32 to index
        %swap3A_181 = arith.constant 48 : index
        %swap3A_182 = tpu.vector_load %arg6[%swap3A_180, %swap3A_181] {strides = array<i32>} : memref<128x128xf32, #tpu.memory_space<vmem>>, vector<1x16xf32>,
        %swap3A_183 = vector.shape_cast %swap3A_182 : vector<1x16xf32> to vector<16xf32>
        %swap3A_184 = vector.shape_cast %max3A_179 : vector<16xf32> to vector<1x16xf32>
        tpu.vector_store %arg6[%swap3A_180, %swap3A_181], %swap3A_184 {strides = array<i32>} : memref<128x128xf32, #tpu.memory_space<vmem>>, vector<1x16xf32>,
      }
      %scan3A_123 = arith.constant 128 : i32
      %add3A_124 = arith.constant 4 : i32
      %add3A_125 = arith.addi %add3A_111, %add3A_124 : i32
      %lt3A_126 = arith.constant 200 : i32
      %lt3A_127 = arith.cmpi slt, %add3A_125, %lt3A_126 : i32
      %convert_element_type3A_128 = arith.extui %lt3A_127 : i1 to i32
      %cond3A_129 = arith.constant 0 : i32
      %cond3A_130 = arith.cmpi ne, %convert_element_type3A_128, %cond3A_129 : i32
      scf.if %cond3A_130 {
        %dma_start3A_131 = arith.constant 0 : i32
        %dma_start3A_132 = tpu.memref_slice %arg5[%add3A_125, %dma_start3A_131] : memref<200x128xi32, #tpu.memory_space<vmem>> -> memref<1x128xi32, #tpu.memory_space<vmem>>
        %dma_start3A_133 = tpu.memref_squeeze %dma_start3A_132 : memref<1x128xi32, #tpu.memory_space<vmem>> -> memref<128xi32, #tpu.memory_space<vmem>>
        %dma_start3A_134 = arith.constant 0 : i32
        %dma_start3A_135 = arith.constant 0 : i32
        %dma_start3A_136 = tpu.memref_slice %arg3[%dma_start3A_134, %dma_start3A_135] : memref<1000000x128xf32, #tpu.memory_space<hbm>> -> memref<1000000x128xf32, #tpu.memory_space<hbm>>
        tpu.enqueue_indirect_dma source(%dma_start3A_136 : memref<1000000x128xf32, #tpu.memory_space<hbm>>) target(%arg10 : memref<128x128xf32, #tpu.memory_space<vmem>>) offsets(%dma_start3A_133 : memref<128xi32, #tpu.memory_space<vmem>>) semaphore(%arg14 : memref<!tpu.dma_semaphore, #tpu.memory_space<semaphore_mem>>)
      } else {
      }
    }
    %scan3A_41 = arith.constant 50 : i32
    "tpu.region"() ({
      %run_scoped3A = tpu.sem_alloc : memref<!tpu.dma_semaphore, #tpu.memory_space<semaphore_mem>>
      %dma_start3A_42 = arith.constant 0 : i32
      %dma_start3A_43 = tpu.memref_slice %arg4[%multiple_of3A, %dma_start3A_42] : memref<4096x128xf32, #tpu.memory_space<hbm>> -> memref<128x128xf32, #tpu.memory_space<hbm>>
      %dma_start3A_44 = arith.constant 0 : i32
      %dma_start3A_45 = tpu.memref_slice %arg4[%multiple_of3A, %dma_start3A_44] : memref<4096x128xf32, #tpu.memory_space<hbm>> -> memref<128x128xf32, #tpu.memory_space<hbm>>
      tpu.enqueue_dma source(%arg6 : memref<128x128xf32, #tpu.memory_space<vmem>>) target(%dma_start3A_45 : memref<128x128xf32, #tpu.memory_space<hbm>>) target_semaphore(%run_scoped3A : memref<!tpu.dma_semaphore, #tpu.memory_space<semaphore_mem>>)
      %dma_wait3A = arith.constant 0 : i32
      %dma_wait3A_46 = tpu.memref_slice %arg4[%multiple_of3A, %dma_wait3A] : memref<4096x128xf32, #tpu.memory_space<hbm>> -> memref<128x128xf32, #tpu.memory_space<hbm>>
      %dma_wait3A_47 = arith.constant 0 : i32
      %dma_wait3A_48 = tpu.memref_slice %arg4[%multiple_of3A, %dma_wait3A_47] : memref<4096x128xf32, #tpu.memory_space<hbm>> -> memref<128x128xf32, #tpu.memory_space<hbm>>
      tpu.wait_dma2 semaphore(%run_scoped3A : memref<!tpu.dma_semaphore, #tpu.memory_space<semaphore_mem>>) src(%arg6 : memref<128x128xf32, #tpu.memory_space<vmem>>) dst(%dma_wait3A_48 : memref<128x128xf32, #tpu.memory_space<hbm>>)
      tpu.yield
    }) : () -> ()
    return
  }
}

module attributes {stable_mosaic.version = 14 : i64} {
  func.func @_trans_body(%arg0: i32, %arg1: memref<64x16384xf32, #tpu.memory_space<vmem>>, %arg2: memref<16384x128xf32, #tpu.memory_space<vmem>>) attributes {dimension_semantics = [#tpu.dimension_semantics<arbitrary>], iteration_bounds = array<i64: 62>, scalar_prefetch = 0 : i64, scratch_operands = 0 : i64, tpu.core_type = #tpu.core_type<tc>, window_params = [{transform_indices = @transform_0, window_bounds = array<i64: 64, 16384>}, {transform_indices = @transform_1, window_bounds = array<i64: 16384, 128>}]} {
    %get3A = arith.constant 0 : index
    %get3A_0 = arith.constant 0 : index
    %get3A_1 = vector.load %arg1[%get3A, %get3A_0] : memref<64x16384xf32, #tpu.memory_space<vmem>>, vector<64x16384xf32>
    %concatenate3A = tpu.concatenate %get3A_1, %get3A_1 in 0 : vector<64x16384xf32>, vector<64x16384xf32> -> vector<128x16384xf32>
    %transpose3A = tpu.transpose %concatenate3A, [1, 0] : vector<128x16384xf32> -> vector<16384x128xf32>
    %swap3A = arith.constant 0 : index
    %swap3A_2 = arith.constant 0 : index
    %swap3A_3 = vector.load %arg2[%swap3A, %swap3A_2] : memref<16384x128xf32, #tpu.memory_space<vmem>>, vector<16384x128xf32>
    tpu.vector_store %arg2[%swap3A, %swap3A_2], %transpose3A {strides = array<i32>} : memref<16384x128xf32, #tpu.memory_space<vmem>>, vector<16384x128xf32>,
    return
  }
  func.func @transform_0(%arg0: i32) -> (i32, i32) {
    %c0_i32 = arith.constant 0 : i32
    %c0_i32_0 = arith.constant 0 : i32
    return %c0_i32, %arg0 : i32, i32
  }
  func.func @transform_1(%arg0: i32) -> (i32, i32) {
    %c0_i32 = arith.constant 0 : i32
    %c0_i32_0 = arith.constant 0 : i32
    return %arg0, %c0_i32 : i32, i32
  }
}

module attributes {stable_mosaic.version = 14 : i64} {
  func.func @_linear_body(%arg0: i32, %arg1: memref<512x128xf32, #tpu.memory_space<vmem>>, %arg2: memref<128x64xf32, #tpu.memory_space<vmem>>, %arg3: memref<1x128xf32, #tpu.memory_space<vmem>>, %arg4: memref<512x128xf32, #tpu.memory_space<vmem>>) attributes {dimension_semantics = [#tpu.dimension_semantics<arbitrary>], iteration_bounds = array<i64: 8>, scalar_prefetch = 0 : i64, scratch_operands = 0 : i64, tpu.core_type = #tpu.core_type<tc>, window_params = [{transform_indices = @transform_0, window_bounds = array<i64: 512, 128>}, {pipeline_mode = #tpu.pipeline_mode<synchronous>, transform_indices = @transform_1, window_bounds = array<i64: 128, 64>}, {pipeline_mode = #tpu.pipeline_mode<synchronous>, transform_indices = @transform_2, window_bounds = array<i64: 1, 128>}, {transform_indices = @transform_3, window_bounds = array<i64: 512, 128>}]} {
    %get3A = arith.constant 0 : index
    %get3A_0 = arith.constant 0 : index
    %get3A_1 = vector.load %arg1[%get3A, %get3A_0] : memref<512x128xf32, #tpu.memory_space<vmem>>, vector<512x128xf32>
    %slice3A = vector.extract_strided_slice %get3A_1 {offsets = [0, 0], sizes = [512, 64], strides = [1, 1]} : vector<512x128xf32> to vector<512x64xf32>
    %get3A_2 = arith.constant 0 : index
    %get3A_3 = arith.constant 0 : index
    %get3A_4 = vector.load %arg2[%get3A_2, %get3A_3] : memref<128x64xf32, #tpu.memory_space<vmem>>, vector<128x64xf32>
    %dot_general3A = arith.constant dense<0.000000e+00> : vector<512x128xf32>
    %dot_general3A_5 = tpu.matmul %slice3A, %get3A_4, %dot_general3A {dimension_numbers = #tpu.dot_dimension_numbers<[1], [1], [0], [0], [0, 0, 1, 0], [], []>, transpose_lhs_hint = false} : vector<512x64xf32>, vector<128x64xf32>, vector<512x128xf32> -> vector<512x128xf32>
    %get3A_6 = arith.constant 0 : index
    %get3A_7 = arith.constant 0 : index
    %get3A_8 = vector.load %arg3[%get3A_6, %get3A_7] : memref<1x128xf32, #tpu.memory_space<vmem>>, vector<1x128xf32>
    %add3A = vector.broadcast %get3A_8 : vector<1x128xf32> to vector<512x128xf32>
    %add3A_9 = arith.addf %dot_general3A_5, %add3A : vector<512x128xf32>
    %swap3A = arith.constant 0 : index
    %swap3A_10 = arith.constant 0 : index
    %swap3A_11 = vector.load %arg4[%swap3A, %swap3A_10] : memref<512x128xf32, #tpu.memory_space<vmem>>, vector<512x128xf32>
    tpu.vector_store %arg4[%swap3A, %swap3A_10], %add3A_9 {strides = array<i32>} : memref<512x128xf32, #tpu.memory_space<vmem>>, vector<512x128xf32>,
    return
  }
  func.func @transform_0(%arg0: i32) -> (i32, i32) {
    %c0_i32 = arith.constant 0 : i32
    %c0_i32_0 = arith.constant 0 : i32
    return %arg0, %c0_i32 : i32, i32
  }
  func.func @transform_1(%arg0: i32) -> (i32, i32) {
    %c0_i32 = arith.constant 0 : i32
    %c0_i32_0 = arith.constant 0 : i32
    %c0_i32_1 = arith.constant 0 : i32
    return %c0_i32, %c0_i32_0 : i32, i32
  }
  func.func @transform_2(%arg0: i32) -> (i32, i32) {
    %c0_i32 = arith.constant 0 : i32
    %c0_i32_0 = arith.constant 0 : i32
    %c0_i32_1 = arith.constant 0 : i32
    return %c0_i32, %c0_i32_0 : i32, i32
  }
  func.func @transform_3(%arg0: i32) -> (i32, i32) {
    %c0_i32 = arith.constant 0 : i32
    %c0_i32_0 = arith.constant 0 : i32
    return %arg0, %c0_i32 : i32, i32
  }
}

</mosaic_0001>

<sc_bundles>
// kernel: _run.5.cloned.1.call-start
scs
__scs_entry_jumppad:
0x0: {  	(pc) =	sbr.rel $0x88, $3  }
0x1: {  	(tag) =	ssettag $0x0;
	lr =	simm.s32 $0x1  }
0x2: {  	[smem:$0x3F9D] =	sst lr;
	_ =	strace $0xD0000000  }
0x3: {  	_ = 	snop  }
0x4: {  	_ = 	snop  }
0x5: {  	_ = 	snop  }
0x6: {  	_ = 	snop  }
0x7: {  	_ = 	snop  }
__scs_overlays_trampoline_lowered:
0x8: {  	[smem:$0x3FAC] =	sst s0  }
0x9: {  	[smem:$0x3FAD] =	sst s1  }
0xa: {  	[smem:$0x3FAE] =	sst s2  }
0xb: {  	[smem:$0x3FAF] =	sst s3  }
0xc: {  	[smem:$0x3FB0] =	sst s4  }
0xd: {  	[smem:$0x3FB1] =	sst s5  }
0xe: {  	[smem:$0x3FB2] =	sst s6  }
0xf: {  	[smem:$0x3FB3] =	sst s7  }
0x10: {  	[smem:$0x3FB4] =	sst s8  }
0x11: {  	[smem:$0x3FB5] =	sst s9;
	s0 =	simm.s32 @!p0 $0x0  }
0x12: {  	s1 =	sld [smem:$0x3F9B];
	s0 =	simm.s32 @p0 $0x1  }
0x13: {  	[smem:$0x3FB6] =	sst s0;
	s0 =	simm.s32 @!p1 $0x0  }
0x14: {  	s2 =	sld [smem:$0x3F9A];
	s0 =	simm.s32 @p1 $0x1  }
0x15: {  	[smem:$0x3FB7] =	sst s0;
	s0 =	simm.s32 @!p2 $0x0  }
0x16: {  	s3 =	sld [smem:$0x3FDB];
	s0 =	simm.s32 @p2 $0x1  }
0x17: {  	s4 =	simm.s32 $0x1BF5;
	[smem:$0x3FB9] =	sst s0  }
0x18: {  	s0 =	sld [smem:$0x3F9C];
	_ =	swait.ge [sflag:s4], $0x0  }
0x19: {  	s7 =	sld [smem:$0x3F9D]  }
0x1a: {  	s8 =	sadd.s32 $0xFFFFE003, lr  }
0x1b: {  	s9 =	sadd.s32 $0xFFFFFEF7, lr;
	s5 =	simm.s32 $0xFFFFFFFF;
	p2 =	slt.u32 s8, $0xFFFFF086  }
0x1c: {  	p1 =	slt.u32 s9, $0xF7A;
	s5 =	simm.s32 @!p2 $0x0  }
0x1d: {  	s5 =	simm.s32 @p1 $0x1;
	p0 =	seq.s32 s7, s2  }
0x1e: {  	s7 =	smul.u32 @!p0 $0xF7A, s2;
	p2 =	seq.s32 @!p0 s5, $0x0  }
0x1f: {  	s9 =	smul.u32 $0xF7A, s1;
	s8 =	simm.s32 @!p0 $0x1BF5;
	p2 =	por !p2, p0  }
0x20: {  	[sflag:s8] =	ssyncset.s32 @!p0 $0xFFFFF086;
	s6 =	sadd.s32 @!p0 s3, s7;
	s7 =	simm.s32 @!p0 $0x108  }
0x21: {  	s3 =	sadd.s32 s3, s9;
	s6 =	sadd.s32 @!p0 $0x88, s6;
	s7 =	simm.s32 @p2 $0x1082  }
0x22: {  	[simem:s7], [sflag:s8] =	dma.local @!p0 [hbm:s6], $0xF7A  }
0x23: {  	s9 =	sor.u32 $0xD0000000, s2;
	s6 =	simm.s32 $0x108;
	_ =	swait.ge @!p0 [sflag:s8], $0x0  }
0x24: {  	s3 =	sadd.s32 $0x88, s3;
	s6 =	simm.s32 @!p1 $0x1082;
	[sflag:s4] =	ssyncset.s32 $0xFFFFF086  }
0x25: {  	[simem:s6], [sflag:s4] =	dma.local [hbm:s3], $0xF7A  }
0x26: {  	[smem:$0x3F9D] =	sst s1;
	(tag) =	ssettag s2;
	_ =	strace s9  }
0x27: {  	s1 =	sld [smem:$0x3FAD]  }
0x28: {  	s2 =	sld [smem:$0x3FAE]  }
0x29: {  	s4 =	sld [smem:$0x3FB0]  }
0x2a: {  	p0 =	seq.s32 s5, $0x0;
	s5 =	sld [smem:$0x3FB1]  }
0x2b: {  	s6 =	sld [smem:$0x3FB2]  }
0x2c: {  	s7 =	sld [smem:$0x3FB3]  }
0x2d: {  	s3 =	simm.s32 $0x108;
	s8 =	sld [smem:$0x3FB4]  }
0x2e: {  	s3 =	simm.s32 @!p0 $0x1082;
	s9 =	sld [smem:$0x3FB5]  }
0x2f: {  	lr =	sadd.s32 s0, s3;
	s0 =	sld [smem:$0x3FAC]  }
0x30: {  	s3 =	sld [smem:$0x3FAF]  }
0x31: {  	[smem:$0x3FB8] =	sst s10  }
0x32: {  	s10 =	sld [smem:$0x3FB6];
	_ =	sdelay $0x3  }
0x33: {  	p0 =	seq.s32 s10, $0x1;
	s10 =	sld [smem:$0x3FB8];
	_ =	sdelay $0x3  }
0x34: {  	[smem:$0x3FB8] =	sst s10  }
0x35: {  	s10 =	sld [smem:$0x3FB7];
	_ =	sdelay $0x3  }
0x36: {  	p1 =	seq.s32 s10, $0x1;
	s10 =	sld [smem:$0x3FB8];
	_ =	sdelay $0x3  }
0x37: {  	[smem:$0x3FB8] =	sst s10  }
0x38: {  	s10 =	sld [smem:$0x3FB9]  }
0x39: {  	_ = 	snop;
	(pc) =	sbr.ind lr, $3  }
0x3a: {  	_ = 	snop  }
0x3b: {  	_ = 	snop  }
0x3c: {  	p2 =	seq.s32 s10, $0x1;
	s10 =	sld [smem:$0x3FB8]  }
0x3d: {  	_ =	shalt  }
0x3e: {  	_ =	shalt  }
0x3f: {  	_ =	shalt  }
0x40: {  	_ =	shalt  }
0x41: {  	_ =	shalt  }
0x42: {  	_ =	shalt  }
0x43: {  	_ =	shalt  }
0x44: {  	_ =	shalt  }
0x45: {  	_ =	shalt  }
0x46: {  	_ =	shalt  }
0x47: {  	_ =	shalt  }
0x48: {  	_ =	shalt  }
0x49: {  	_ =	shalt  }
0x4a: {  	_ =	shalt  }
0x4b: {  	_ =	shalt  }
0x4c: {  	_ =	shalt  }
0x4d: {  	_ =	shalt  }
0x4e: {  	_ =	shalt  }
0x4f: {  	_ =	shalt  }
0x50: {  	_ =	shalt  }
0x51: {  	_ =	shalt  }
0x52: {  	_ =	shalt  }
0x53: {  	_ =	shalt  }
0x54: {  	_ =	shalt  }
0x55: {  	_ =	shalt  }
0x56: {  	_ =	shalt  }
0x57: {  	_ =	shalt  }
0x58: {  	_ =	shalt  }
0x59: {  	_ =	shalt  }
0x5a: {  	_ =	shalt  }
0x5b: {  	_ =	shalt  }
0x5c: {  	_ =	shalt  }
0x5d: {  	_ =	shalt  }
0x5e: {  	_ =	shalt  }
0x5f: {  	_ =	shalt  }
0x60: {  	_ =	shalt  }
0x61: {  	_ =	shalt  }
0x62: {  	_ =	shalt  }
0x63: {  	_ =	shalt  }
0x64: {  	_ =	shalt  }
0x65: {  	_ =	shalt  }
0x66: {  	_ =	shalt  }
0x67: {  	_ =	shalt  }
0x68: {  	_ =	shalt  }
0x69: {  	_ =	shalt  }
0x6a: {  	_ =	shalt  }
0x6b: {  	_ =	shalt  }
0x6c: {  	_ =	shalt  }
0x6d: {  	_ =	shalt  }
0x6e: {  	_ =	shalt  }
0x6f: {  	_ =	shalt  }
0x70: {  	_ =	shalt  }
0x71: {  	_ =	shalt  }
0x72: {  	_ =	shalt  }
0x73: {  	_ =	shalt  }
0x74: {  	_ =	shalt  }
0x75: {  	_ =	shalt  }
0x76: {  	_ =	shalt  }
0x77: {  	_ =	shalt  }
0x78: {  	_ =	shalt  }
0x79: {  	_ =	shalt  }
0x7a: {  	_ =	shalt  }
0x7b: {  	_ =	shalt  }
0x7c: {  	_ =	shalt  }
0x7d: {  	_ =	shalt  }
0x7e: {  	_ =	shalt  }
0x7f: {  	_ =	shalt  }
0x80: {  	_ =	shalt  }
0x81: {  	_ =	shalt  }
0x82: {  	_ =	shalt  }
0x83: {  	_ =	shalt  }
0x84: {  	_ =	shalt  }
0x85: {  	_ =	shalt  }
0x86: {  	_ =	shalt  }
0x87: {  	_ =	shalt  }
.Lfunc_end0:
.L_simem_size_0:
called_computation_lowered:
.L_overlay_start_0:
0x88: {  	s2 =	sld [smem:$0x3FD9]  }
0x89: {  	s3 =	sld [smem:$0x3FFE];
	_ =	sdelay $0x1  }
0x8a: {  	s1 =	srdreg.scid  }
0x8b: {  	s0 =	sand.u32 $0x1, s1  }
0x8c: {  	s17 =	sshll.u32 s0, $0xA;
	s2 =	sadd.s32 s3, s2  }
0x8d: {  	s2 =	sadd.s32 s2, s17  }
0x8e: {  	[smem:$0x3FC4] =	sst s2  }
0x8f: {  	_ = 	snop  }
0x90: {  	s2 =	sld [smem:$0x3FC9]  }
0x91: {  	s18 =	sld [smem:$0x3FD0];
	(tm) =	ssettm $0x1  }
0x92: {  	s4 =	sld [smem:$0x3FFB];
	_ =	sdelay $0x3  }
0x93: {  	_ =	strace s4  }
0x94: {  	s4 =	sld [smem:$0x3FFC];
	_ =	sdelay $0x3  }
0x95: {  	_ =	strace s4  }
0x96: {  	s4 =	sld [smem:$0x3FFD];
	_ =	sdelay $0x3  }
0x97: {  	_ =	strace s4  }
0x98: {  	_ =	strace $0x8FFFFFFF  }
0x99: {  	s19 =	sld [smem:$0x3FDB];
	_ =	sdelay $0x1  }
0x9a: {  	s5 =	simm.s32 $_scs_section_size  }
0x9b: {  	s6 =	simm.s32 $_size__tile_overlayer_lowered;
	s7 =	simm.s32 $_tile_overlayer_lowered  }
0x9c: {  	s22 =	simm.s32 $0x1BFF;
	s21 =	sshll.u32 s7, $0x1;
	s4 =	sadd.s32 s5, s19  }
0x9d: {  	s8 =	simm.s32 $0x0;
	s20 =	sshll.u32 s6, $0x1;
	s6 =	sadd.s32 s21, s4  }
0x9e: {  	[timem:s8], [sflag:s22] =	dma.local [hbm:s6], s20  }
0x9f: {  	_ =	swait.ge [sflag:s22], s20  }
0xa0: {  	s5 =	ssub.s32 $0x0, s20;
	[sflag:s22] =	ssyncset.done $0x0  }
0xa1: {  	[sflag:s22] =	ssyncadd.s32 s5;
	_ =	sdelay $0x1  }
0xa2: {  	s23 =	simm.s32 $0x1B8B  }
0xa3: {  	_ =	swait.ge [sflag:s23], $0x1  }
0xa4: {  	[sflag:s23] =	ssyncset.done $0x0  }
0xa5: {  	s25 =	simm.s32 $0x1B8E;
	s24 =	sld [smem:$0x3FFE];
	[sflag:s23] =	ssyncadd.s32 $0xFFFFFFFF  }
0xa6: {  	s26 =	simm.s32 $execute0_lowered;
	[smem:$0x3FD2] =	sst s25  }
0xa7: {  	s6 =	sshll.u32 s26, $0x1;
	_ =	strace $0x80000046;
	[dreg:$0x1] =	wrdreg $0xFFFFFFFF  }
0xa8: {  	s28 =	simm.s32 $_size_execute0_lowered;
	s4 =	sadd.s32 s4, s6;
	[dreg:$0x0] =	wrdreg $0x0  }
0xa9: {  	s6 =	sshll.u32 s28, $0x1;
	[dreg:$0x2] =	wrdreg s4  }
0xaa: {  	[dreg:$0x3] =	wrdreg s6  }
0xab: {  	[dreg:$0x4] =	wrdreg $0xC0  }
0xac: {  	_ =	task [dreg:s8], $0x5FFFF  }
0xad: {  	[dreg:$0x1] =	wrdreg $0xFFFFFFFF  }
0xae: {  	[dreg:$0x0] =	wrdreg $0x60  }
0xaf: {  	[dreg:$0x2] =	wrdreg s2  }
0xb0: {  	[dreg:$0x3] =	wrdreg s24  }
0xb1: {  	[dreg:$0x4] =	wrdreg s18  }
0xb2: {  	[dreg:$0x5] =	wrdreg $0x9  }
0xb3: {  	_ =	task.clear_ibuf [dreg:s8], $0x6FFFF;
	_ =	strace $0x90000046  }
0xb4: {  	s29 =	simm.s32 $0x9;
	_ =	strace $0x80000048  }
0xb5: {  	_ =	swait.ge [sflag:s29], $0x1  }
0xb6: {  	[sflag:s29] =	ssyncadd.s32 $0xFFFFFFFF  }
0xb7: {  	_ =	strace $0x90000048  }
0xb8: {  	_ =	sfence  }
0xb9: {  	s30 =	sld [smem:$0x0];
	_ =	sdelay $0x2  }
0xba: {  	s31 =	sshll.u32 s1, $0xD;
	s1 =	sshrl.u32 s1, $0x2  }
0xbb: {  	s3 =	sand.u32 $0x4000, s31;
	s1 =	sadd.s32 s1, s30  }
0xbc: {  	s0 =	sor.u32 s3, s0;
	s1 =	sshll.u32 s1, $0x11  }
0xbd: {  	s0 =	sor.u32 s1, s0  }
0xbe: {  	s0 =	sadd.s32 $0x8F2B, s0  }
0xbf: {  	[sflag:s0] =	ssyncadd.remote.s32 $0x1  }
0xc0: {  	_ =	sfence.sel $0xFFFF  }
0xc1: {  	[dreg:$0x0] =	wrdreg $0xFFFFFFFF;
	(pc) =	sbr.abs _section_cstart, $3  }
0xc2: {  	[dreg:$0x1] =	wrdreg $0xFFFFFFFF  }
0xc3: {  	_ =	task.clear_ibuf [dreg:s8], $0x2FFFF;
	_ =	strace $0x9FFFFFFF  }
0xc4: {  	(tm) =	ssettm $0x7FFFFFFF  }
0xc5: {  	_ =	shalt  }
tec
execute0_lowered:
.L_overlay_start_1:
0x0: {  	(tag) =	ssettag $0x1  }
0x1: {  	s4 =	rddreg [dreg:$0x0]  }
0x2: {  	s3 =	rddreg [dreg:$0x1]  }
0x3: {  	s5 =	rddreg [dreg:$0x2]  }
0x4: {  	s0 =	rddreg [dreg:$0x3];
	s2 =	simm.s32 $0x0  }
0x5: {  	s6 =	srdreg.scid;
	s1 =	stileid.u32;
	s10 =	simm.s32 $0x80  }
0x6: {  	s11 =	simm.s32 $0xA400;
	s12 =	simm.s32 $0xE400;
	s13 =	simm.s32 $0x100  }
0x7: {  	s14 =	simm.s32 $0x12400;
	s15 =	simm.s32 $0x180;
	s16 =	simm.s32 $0x16400  }
0x8: {  	s17 =	simm.s32 $0x1;
	s18 =	simm.s32 $0x2;
	s19 =	simm.s32 $0x3  }
0x9: {  	s20 =	simm.s32 $0x4;
	s21 =	simm.s32 $0x6400;
	s22 =	simm.s32 $0x0  }
0xa: {  	[smem:$0x7FF] =	sst s2;
	s6 =	sand.u32 $0x1, s6;
	s8 =	sshll.u32 s1, $0x8  }
.Ltmp0:
0xb: {  	s3 =	sadd.s32 $0xA00, s3;
	s7 =	ssub.s32 $0x2, s6;
	(pc) =	sbr.rel .LBB2_1-.Ltmp0, $4  }
0xc: {  	_ =	strace $0x80000047;
	s6 =	sshll.u32 s6, $0x7;
	s9 =	sshrl.u32 s7, $0x1  }
0xd: {  	s6 =	sor.u32 s6, s8;
	s8 =	simm.s32 $0x8000;
	s7 =	ssub.s32 s7, s9  }
0xe: {  	s4 =	sadd.s32 s4, s6;
	s6 =	sshll.u32 s6, $0x4;
	s9 =	simm.s32 $0x5  }
0xf: {  	v0 =	vimm.f32 $-Inf;
	s5 =	sadd.s32 s5, s6;
	s6 =	smax.u32 s7, $0x1;
	s7 =	simm.s32 $0x400  }
.LBB2_14:
0x10: {  	s22 =	sadd.s32 $0x1, s22  }
0x11: {  	p0 =	sne.s32 s22, s6  }
.Ltmp1:
0x12: {  	_ = 	snop;
	(pc) =	sbr.rel @!p0 .LBB2_15-.Ltmp1, $4  }
0x13: {  	[hbm4b:s5+s2] =	stream.linear.scatter [tilespmem:s21], [sflag:$0x5], $0x4000, $0x38;
	[tilespmem:$0x1A400] =	vst v63  }
0x14: {  	_ =	swait.ge [sflag:s9], $0x4000  }
0x15: {  	[sflag:s9] =	ssyncset.done $0x0  }
0x16: {  	[sflag:s9] =	ssyncadd.s32 $0xFFFFC000  }
.LBB2_1:
0x17: {  	[tilespmem:s2], [sflag:$0x5] =	stream.strided.gather [hbm4b:s4+s7], $0x6400, s8, s7, $0x38;
	[tilespmem:$0x1A400] =	vst v63  }
0x18: {  	_ =	swait.ge [sflag:s9], $0x6400  }
0x19: {  	[sflag:s9] =	ssyncset.done $0x0  }
0x1a: {  	s24 =	simm.s32 $0x200;
	s23 =	simm.s32 $0x0;
	[sflag:s9] =	ssyncadd.s32 $0xFFFF9C00  }
.LBB2_2:
0x1b: {  	p0 =	sne.s32 s24, $0xFE00;
	[tilespmem:s23+$0x6430] =	vst v0;
	s25 =	smov.u32 s24;
	s24 =	sadd.s32 $0x200, s24  }
.Ltmp2:
0x1c: {  	[tilespmem:s23+$0x6420] =	vst v0;
	(pc) =	sbr.rel @p0 .LBB2_2-.Ltmp2, $3  }
0x1d: {  	[tilespmem:s23+$0x6400] =	vst v0  }
0x1e: {  	[tilespmem:s23+$0x6410] =	vst v0;
	_ =	sdelay $0x1  }
0x1f: {  	s23 =	sshra.s32 s25, $0x2  }
0x20: {  	[tilespmem:s23+$0x6430] =	vst v0  }
0x21: {  	[tilespmem:s23+$0x6420] =	vst v0  }
0x22: {  	[tilespmem:s23+$0x6400] =	vst v0  }
0x23: {  	[tilespmem:s23+$0x6410] =	vst v0;
	s23 =	simm.s32 $0x0  }
0x24: {  	[tilespmem:s11], [sflag:$0x1] =	stream.indirect.gather [hbm4b:s3+s10], $0x80, s23, s10, $0xb8;
	[tilespmem:$0x1A400] =	vst v63  }
0x25: {  	_ = 	snop  }
0x26: {  	[tilespmem:s12], [sflag:$0x2] =	stream.indirect.gather [hbm4b:s3+s10], $0x80, s10, s10, $0xb8;
	[tilespmem:$0x1A400] =	vst v63  }
0x27: {  	_ = 	snop  }
0x28: {  	[tilespmem:s14], [sflag:$0x3] =	stream.indirect.gather [hbm4b:s3+s10], $0x80, s13, s10, $0xb8;
	[tilespmem:$0x1A400] =	vst v63  }
0x29: {  	_ = 	snop  }
0x2a: {  	[tilespmem:s16], [sflag:$0x4] =	stream.indirect.gather [hbm4b:s3+s10], $0x80, s15, s10, $0xb8;
	[tilespmem:$0x1A400] =	vst v63  }
.LBB2_4:
0x2b: {  	_ =	swait.ge [sflag:s17], $0x4000  }
0x2c: {  	[sflag:s17] =	ssyncset.done $0x0  }
0x2d: {  	s26 =	simm.s32 $0x0;
	[sflag:s17] =	ssyncadd.s32 $0xFFFFC000  }
0x2e: {  	v6 =	vld [tilespmem:s26+$0xA400]  }
0x2f: {  	v7 =	vld [tilespmem:s26+$0xA410]  }
0x30: {  	v2 =	vld [tilespmem:s26+$0xA420]  }
0x31: {  	v1 =	vld [tilespmem:s26+$0xA430]  }
0x32: {  	v5 =	vld [tilespmem:s26+$0x6400]  }
0x33: {  	v3 =	vld [tilespmem:s26+$0x6410]  }
0x34: {  	s24 =	simm.s32 $0x200;
	v4 =	vld [tilespmem:s26+$0x6420]  }
.LBB2_5:
0x35: {  	s25 =	sshra.s32 s24, $0x2;
	p0 =	sne.s32 s24, $0xFE00;
	v8 =	vld [tilespmem:s26+$0x6430];
	v9 =	vmov v2  }
0x36: {  	v10 =	vld [tilespmem:s25+$0xA400];
	v11 =	vmov v1  }
0x37: {  	v12 =	vld [tilespmem:s25+$0xA410];
	v1 =	vmax.f32 v5, v6  }
.Ltmp3:
0x38: {  	v2 =	vld [tilespmem:s25+$0xA420];
	[tilespmem:s26+$0x6400] =	vst v1;
	v3 =	vmax.f32 v3, v7;
	(pc) =	sbr.rel @p0 .LBB2_5-.Ltmp3, $4  }
0x39: {  	v1 =	vld [tilespmem:s25+$0xA430];
	[tilespmem:s26+$0x6410] =	vst v3;
	v3 =	vmax.f32 v4, v9  }
0x3a: {  	v5 =	vld [tilespmem:s25+$0x6400];
	[tilespmem:s26+$0x6420] =	vst v3;
	v4 =	vmax.f32 v8, v11  }
0x3b: {  	v3 =	vld [tilespmem:s25+$0x6410];
	[tilespmem:s26+$0x6430] =	vst v4;
	v6 =	vmov v10;
	s26 =	smov.u32 s25  }
0x3c: {  	s24 =	sadd.s32 $0x200, s24;
	v4 =	vld [tilespmem:s26+$0x6420];
	v7 =	vmov v12  }
0x3d: {  	v8 =	vld [tilespmem:s26+$0x6430];
	_ =	sdelay $0x1  }
0x3e: {  	v5 =	vmax.f32 v5, v6  }
0x3f: {  	[tilespmem:s26+$0x6400] =	vst v5;
	v3 =	vmax.f32 v3, v7  }
0x40: {  	s24 =	sshll.u32 s23, $0xB;
	p0 =	seq.s32 s23, $0x31;
	[tilespmem:s26+$0x6410] =	vst v3;
	v2 =	vmax.f32 v4, v2  }
0x41: {  	s25 =	sshrl.u32 @!p0 s24, $0x2;
	[tilespmem:s26+$0x6420] =	vst v2;
	v1 =	vmax.f32 v8, v1  }
0x42: {  	s28 =	simm.s32 @!p0 $0x80;
	s29 =	simm.s32 @!p0 $0xA400;
	[tilespmem:s26+$0x6430] =	vst v1;
	s26 =	sadd.s32 @!p0 $0x200, s25  }
0x43: {  	[tilespmem:s29], [sflag:$0x1] =	stream.indirect.gather @!p0 [hbm4b:s3+s28], $0x80, s26, s28, $0xb8;
	[tilespmem:$0x1A400] =	vst v63  }
0x44: {  	_ =	swait.ge [sflag:s18], $0x4000  }
0x45: {  	[sflag:s18] =	ssyncset.done $0x0  }
0x46: {  	s26 =	simm.s32 $0x0;
	[sflag:s18] =	ssyncadd.s32 $0xFFFFC000  }
0x47: {  	v6 =	vld [tilespmem:s26+$0xE400]  }
0x48: {  	v7 =	vld [tilespmem:s26+$0xE410]  }
0x49: {  	v1 =	vld [tilespmem:s26+$0xE420]  }
0x4a: {  	v2 =	vld [tilespmem:s26+$0xE430]  }
0x4b: {  	v5 =	vld [tilespmem:s26+$0x6400]  }
0x4c: {  	v3 =	vld [tilespmem:s26+$0x6410]  }
0x4d: {  	s28 =	simm.s32 $0x200;
	v4 =	vld [tilespmem:s26+$0x6420]  }
.LBB2_7:
0x4e: {  	s29 =	sshra.s32 s28, $0x2;
	p1 =	sne.s32 s28, $0xFE00;
	v8 =	vld [tilespmem:s26+$0x6430];
	v9 =	vmov v1  }
0x4f: {  	v10 =	vld [tilespmem:s29+$0xE400];
	v11 =	vmov v2  }
0x50: {  	v12 =	vld [tilespmem:s29+$0xE410];
	v2 =	vmax.f32 v5, v6  }
.Ltmp4:
0x51: {  	v1 =	vld [tilespmem:s29+$0xE420];
	[tilespmem:s26+$0x6400] =	vst v2;
	v3 =	vmax.f32 v3, v7;
	(pc) =	sbr.rel @p1 .LBB2_7-.Ltmp4, $4  }
0x52: {  	v2 =	vld [tilespmem:s29+$0xE430];
	[tilespmem:s26+$0x6410] =	vst v3;
	v3 =	vmax.f32 v4, v9  }
0x53: {  	v5 =	vld [tilespmem:s29+$0x6400];
	[tilespmem:s26+$0x6420] =	vst v3;
	v4 =	vmax.f32 v8, v11  }
0x54: {  	v3 =	vld [tilespmem:s29+$0x6410];
	[tilespmem:s26+$0x6430] =	vst v4;
	v6 =	vmov v10;
	s26 =	smov.u32 s29  }
0x55: {  	s28 =	sadd.s32 $0x200, s28;
	v4 =	vld [tilespmem:s26+$0x6420];
	v7 =	vmov v12  }
0x56: {  	v8 =	vld [tilespmem:s26+$0x6430];
	_ =	sdelay $0x1  }
0x57: {  	v5 =	vmax.f32 v5, v6  }
0x58: {  	[tilespmem:s26+$0x6400] =	vst v5;
	v3 =	vmax.f32 v3, v7  }
0x59: {  	[tilespmem:s26+$0x6410] =	vst v3;
	v1 =	vmax.f32 v4, v1  }
0x5a: {  	[tilespmem:s26+$0x6420] =	vst v1;
	v1 =	vmax.f32 v8, v2  }
0x5b: {  	s28 =	simm.s32 @!p0 $0x80;
	s29 =	simm.s32 @!p0 $0xE400;
	[tilespmem:s26+$0x6430] =	vst v1;
	s26 =	sadd.s32 @!p0 $0x280, s25  }
0x5c: {  	[tilespmem:s29], [sflag:$0x2] =	stream.indirect.gather @!p0 [hbm4b:s3+s28], $0x80, s26, s28, $0xb8;
	[tilespmem:$0x1A400] =	vst v63  }
0x5d: {  	_ =	swait.ge [sflag:s19], $0x4000  }
0x5e: {  	[sflag:s19] =	ssyncset.done $0x0  }
0x5f: {  	s26 =	simm.s32 $0x0;
	[sflag:s19] =	ssyncadd.s32 $0xFFFFC000  }
0x60: {  	v6 =	vld [tilespmem:s26+$0x12400]  }
0x61: {  	v7 =	vld [tilespmem:s26+$0x12410]  }
0x62: {  	v1 =	vld [tilespmem:s26+$0x12420]  }
0x63: {  	v2 =	vld [tilespmem:s26+$0x12430]  }
0x64: {  	v5 =	vld [tilespmem:s26+$0x6400]  }
0x65: {  	v3 =	vld [tilespmem:s26+$0x6410]  }
0x66: {  	s28 =	simm.s32 $0x200;
	v4 =	vld [tilespmem:s26+$0x6420]  }
.LBB2_9:
0x67: {  	s29 =	sshra.s32 s28, $0x2;
	p1 =	sne.s32 s28, $0xFE00;
	v8 =	vld [tilespmem:s26+$0x6430];
	v9 =	vmov v1  }
0x68: {  	v10 =	vld [tilespmem:s29+$0x12400];
	v11 =	vmov v2  }
0x69: {  	v12 =	vld [tilespmem:s29+$0x12410];
	v2 =	vmax.f32 v5, v6  }
.Ltmp5:
0x6a: {  	v1 =	vld [tilespmem:s29+$0x12420];
	[tilespmem:s26+$0x6400] =	vst v2;
	v3 =	vmax.f32 v3, v7;
	(pc) =	sbr.rel @p1 .LBB2_9-.Ltmp5, $4  }
0x6b: {  	v2 =	vld [tilespmem:s29+$0x12430];
	[tilespmem:s26+$0x6410] =	vst v3;
	v3 =	vmax.f32 v4, v9  }
0x6c: {  	v5 =	vld [tilespmem:s29+$0x6400];
	[tilespmem:s26+$0x6420] =	vst v3;
	v4 =	vmax.f32 v8, v11  }
0x6d: {  	v3 =	vld [tilespmem:s29+$0x6410];
	[tilespmem:s26+$0x6430] =	vst v4;
	v6 =	vmov v10;
	s26 =	smov.u32 s29  }
0x6e: {  	s28 =	sadd.s32 $0x200, s28;
	v4 =	vld [tilespmem:s26+$0x6420];
	v7 =	vmov v12  }
0x6f: {  	v8 =	vld [tilespmem:s26+$0x6430];
	_ =	sdelay $0x1  }
0x70: {  	v5 =	vmax.f32 v5, v6  }
0x71: {  	[tilespmem:s26+$0x6400] =	vst v5;
	v3 =	vmax.f32 v3, v7  }
0x72: {  	[tilespmem:s26+$0x6410] =	vst v3;
	v1 =	vmax.f32 v4, v1  }
0x73: {  	[tilespmem:s26+$0x6420] =	vst v1;
	v1 =	vmax.f32 v8, v2  }
0x74: {  	s25 =	sadd.s32 @!p0 $0x300, s25;
	s28 =	simm.s32 @!p0 $0x12400;
	[tilespmem:s26+$0x6430] =	vst v1;
	s26 =	simm.s32 @!p0 $0x80  }
0x75: {  	[tilespmem:s28], [sflag:$0x3] =	stream.indirect.gather @!p0 [hbm4b:s3+s26], $0x80, s25, s26, $0xb8;
	[tilespmem:$0x1A400] =	vst v63  }
0x76: {  	_ =	swait.ge [sflag:s20], $0x4000  }
0x77: {  	[sflag:s20] =	ssyncset.done $0x0  }
0x78: {  	s25 =	simm.s32 $0x0;
	[sflag:s20] =	ssyncadd.s32 $0xFFFFC000  }
0x79: {  	v6 =	vld [tilespmem:s25+$0x16400]  }
0x7a: {  	v7 =	vld [tilespmem:s25+$0x16410]  }
0x7b: {  	v1 =	vld [tilespmem:s25+$0x16420]  }
0x7c: {  	v2 =	vld [tilespmem:s25+$0x16430]  }
0x7d: {  	v5 =	vld [tilespmem:s25+$0x6400]  }
0x7e: {  	v3 =	vld [tilespmem:s25+$0x6410]  }
0x7f: {  	s26 =	simm.s32 $0x200;
	v4 =	vld [tilespmem:s25+$0x6420]  }
.LBB2_11:
0x80: {  	s28 =	sshra.s32 s26, $0x2;
	p1 =	sne.s32 s26, $0xFE00;
	v8 =	vld [tilespmem:s25+$0x6430];
	v9 =	vmov v1  }
0x81: {  	v10 =	vld [tilespmem:s28+$0x16400];
	v11 =	vmov v2  }
0x82: {  	v12 =	vld [tilespmem:s28+$0x16410];
	v2 =	vmax.f32 v5, v6  }
.Ltmp6:
0x83: {  	v1 =	vld [tilespmem:s28+$0x16420];
	[tilespmem:s25+$0x6400] =	vst v2;
	v3 =	vmax.f32 v3, v7;
	(pc) =	sbr.rel @p1 .LBB2_11-.Ltmp6, $4  }
0x84: {  	v2 =	vld [tilespmem:s28+$0x16430];
	[tilespmem:s25+$0x6410] =	vst v3;
	v3 =	vmax.f32 v4, v9  }
0x85: {  	v5 =	vld [tilespmem:s28+$0x6400];
	[tilespmem:s25+$0x6420] =	vst v3;
	v4 =	vmax.f32 v8, v11  }
0x86: {  	v3 =	vld [tilespmem:s28+$0x6410];
	[tilespmem:s25+$0x6430] =	vst v4;
	v6 =	vmov v10;
	s25 =	smov.u32 s28  }
0x87: {  	s26 =	sadd.s32 $0x200, s26;
	v4 =	vld [tilespmem:s25+$0x6420];
	v7 =	vmov v12  }
0x88: {  	v8 =	vld [tilespmem:s25+$0x6430];
	_ =	sdelay $0x1  }
.Ltmp7:
0x89: {  	v5 =	vmax.f32 v5, v6;
	(pc) =	sbr.rel @p0 .LBB2_14-.Ltmp7, $4  }
0x8a: {  	[tilespmem:s25+$0x6400] =	vst v5;
	v3 =	vmax.f32 v3, v7  }
0x8b: {  	[tilespmem:s25+$0x6410] =	vst v3;
	v1 =	vmax.f32 v4, v1  }
0x8c: {  	[tilespmem:s25+$0x6420] =	vst v1;
	v1 =	vmax.f32 v8, v2  }
0x8d: {  	[tilespmem:s25+$0x6430] =	vst v1  }
.Ltmp8:
0x8e: {  	(pc) =	sbr.rel .LBB2_4-.Ltmp8, $4  }
0x8f: {  	_ = 	snop  }
0x90: {  	s24 =	sshrl.u32 s24, $0x2  }
0x91: {  	s23 =	sadd.s32 $0x1, s23;
	s24 =	sadd.s32 $0x380, s24  }
0x92: {  	[tilespmem:s16], [sflag:$0x4] =	stream.indirect.gather [hbm4b:s3+s10], $0x80, s24, s10, $0xb8;
	[tilespmem:$0x1A400] =	vst v63  }
.LBB2_15:
0x93: {  	_ =	sfence.sel $0x180000  }
0x94: {  	[bflag:$0x0] =	sbarrier.arrive $0xFFFF  }
0x95: {  	p0 =	sne.s32 s1, $0x0;
	_ =	strace $0x90000047  }
0x96: {  	s0 =	sadd.s32 @!p0 $0x100000, s0;
	[bflag:$0x2] =	sbarrier.arrive $0xFFFF  }
0x97: {  	[sflag:s0] =	ssyncadd.tile.s32 @!p0 $0x1;
	_ =	shalt  }
.Lfunc_end2:
_tile_overlayer_lowered:
.L_overlay_start_2:
0x98: {  	(tag) =	ssettag $0x2  }
0x99: {  	s0 =	rddreg [dreg:$0x0];
	s2 =	stileid.u32  }
0x9a: {  	s1 =	rddreg [dreg:$0x1];
	p0 =	sne.s32 s2, $0x0  }
0x9b: {  	s3 =	rddreg [dreg:$0x2];
	[bflag:$0x3] =	sbarrier.arrive $0xFFFF;
	s2 =	simm.s32 @!p0 $0x1C05  }
0x9c: {  	[timem:s3], [sflag:s2] =	dma.local @!p0 [hbm:s0], s1  }
0x9d: {  	s0 =	simm.s32 @!p0 $0x5  }
0x9e: {  	_ =	swait.ge @!p0 [sflag:s0], s1  }
0x9f: {  	s1 =	ssub.s32 @!p0 $0x0, s1;
	[sflag:s0] =	ssyncset.done @!p0 $0x0  }
0xa0: {  	[sflag:s0] =	ssyncadd.s32 @!p0 s1  }
0xa1: {  	[bflag:$0x3] =	sbarrier.arrive $0xFFFF  }
0xa2: {  	_ =	shalt  }

</sc_bundles>
